<compile_context>
chip_gen: v7x
topology: tpu7x:2x2x1
jax: 0.10.2.dev20260603
libtpu: 0.0.44.dev20260713+nightly
codegen_flags: <defaults>
</compile_context>

<pallas_src>
import functools

import jax
import jax.numpy as jnp
from jax import lax
from jax.experimental import pallas as pl
from jax.experimental.pallas import tpu as pltpu
from jax.experimental.pallas import tpu_sc as plsc

NC = 2
NS = 16
L = 16
CHUNK = 128
RING = 16
AW = 32


def _sc_aggregate(N, D, CPT, RPT):
    NPAD = NS * RPT
    NB = CPT // RING
    mesh = plsc.VectorSubcoreMesh(core_axis_name="c", subcore_axis_name="s",
                                  num_cores=NC, num_subcores=NS)
    out_type = (
        jax.ShapeDtypeStruct((NC, NPAD, D), jnp.float32),
        jax.ShapeDtypeStruct((NC, NPAD, AW), jnp.float32),
    )
    scratch = [
        pltpu.VMEM_SHARED((NPAD, D), jnp.float32),
        pltpu.VMEM_SHARED((NPAD, AW), jnp.float32),
        pltpu.VMEM((RING, CHUNK), jnp.int32),
        pltpu.VMEM((RING, CHUNK), jnp.int32),
        pltpu.VMEM((CHUNK, AW), jnp.float32),
        pltpu.VMEM((CHUNK, D), jnp.float32),
        pltpu.SemaphoreType.DMA,
    ]
    offs = sorted(set(list(range(0, RPT - CHUNK, CHUNK)) + [RPT - CHUNK]))

    @functools.partial(pl.kernel, out_type=out_type, mesh=mesh,
                       scratch_types=scratch,
                       compiler_params=pltpu.CompilerParams(
                           use_tc_tiling_on_sc=False))
    def agg(x_hbm, src_hbm, dst_hbm, aug_hbm, sx_out, sa_out,
            sx_sh, sa_sh, src_v, dst_v, aug_v, gbuf, sem):
        c = lax.axis_index("c")
        s = lax.axis_index("s")
        w = s * NC + c

        zeros = jnp.zeros((L,), jnp.float32)

        def zrow(i, carry):
            def zcol(j, carry2):
                gbuf[i, pl.ds(j * L, L)] = zeros
                return carry2
            lax.fori_loop(0, D // L, zcol, 0)
            aug_v[i, pl.ds(0, L)] = zeros
            aug_v[i, pl.ds(L, L)] = zeros
            return carry
        lax.fori_loop(0, CHUNK, zrow, 0)

        row0 = s * RPT
        for off in offs:
            pltpu.sync_copy(gbuf, sx_sh.at[pl.ds(row0 + off, CHUNK)])
            pltpu.sync_copy(aug_v, sa_sh.at[pl.ds(row0 + off, CHUNK)])
        plsc.subcore_barrier()

        def block(b, carry):
            pltpu.sync_copy(src_hbm.at[w, pl.ds(b * RING, RING)], src_v)
            pltpu.sync_copy(dst_hbm.at[w, pl.ds(b * RING, RING)], dst_v)

            def body(j, carry2):
                g = b * RING + j
                pltpu.sync_copy(aug_hbm.at[w, g], aug_v)
                pltpu.async_copy(x_hbm.at[src_v.at[j]], gbuf, sem).wait()
                didx = dst_v.at[j]
                pltpu.sync_copy(gbuf, sx_sh.at[didx], add=True)
                pltpu.sync_copy(aug_v, sa_sh.at[didx], add=True)
                return carry2
            lax.fori_loop(0, RING, body, 0)
            return carry
        lax.fori_loop(0, NB, block, 0)
        plsc.subcore_barrier()

        for off in offs:
            r = row0 + off
            pltpu.sync_copy(sx_sh.at[pl.ds(r, CHUNK)], gbuf)
            pltpu.sync_copy(gbuf, sx_out.at[c, pl.ds(r, CHUNK)])
            pltpu.sync_copy(sa_sh.at[pl.ds(r, CHUNK)], aug_v)
            pltpu.sync_copy(aug_v, sa_out.at[c, pl.ds(r, CHUNK)])

    return agg


def _tc_combine(N, D, ED, BT=512):
    def body(sx_ref, sa_ref, x_ref, We_ref, be_ref, Wl_ref, bl_ref,
             Wr_ref, out_ref):
        sx = sx_ref[0] + sx_ref[1]
        sa = sa_ref[0] + sa_ref[1]
        se = sa[:, :ED]
        cnt = sa[:, ED:ED + 1]
        num = (sx + jnp.dot(se, We_ref[...], preferred_element_type=jnp.float32)
               + cnt * be_ref[...])
        agg = num / jnp.maximum(cnt, 1.0)
        out_ref[...] = (
            jnp.dot(agg, Wl_ref[...], preferred_element_type=jnp.float32)
            + bl_ref[...]
            + jnp.dot(x_ref[...], Wr_ref[...], preferred_element_type=jnp.float32))

    return pl.pallas_call(
        body,
        grid=(pl.cdiv(N, BT),),
        in_specs=[
            pl.BlockSpec((NC, BT, D), lambda i: (0, i, 0)),
            pl.BlockSpec((NC, BT, AW), lambda i: (0, i, 0)),
            pl.BlockSpec((BT, D), lambda i: (i, 0)),
            pl.BlockSpec((ED, D), lambda i: (0, 0)),
            pl.BlockSpec((1, D), lambda i: (0, 0)),
            pl.BlockSpec((D, D), lambda i: (0, 0)),
            pl.BlockSpec((1, D), lambda i: (0, 0)),
            pl.BlockSpec((D, D), lambda i: (0, 0)),
        ],
        out_specs=pl.BlockSpec((BT, D), lambda i: (i, 0)),
        out_shape=jax.ShapeDtypeStruct((N, D), jnp.float32),
    )


def kernel(x, edge_index, edge_attr, W_edge, b_edge, W_l, b_l, W_r):
    N, D = x.shape
    E = edge_index.shape[1]
    ED = edge_attr.shape[1]
    NW = NC * NS
    CPT = -(-E // (NW * CHUNK))
    CPT = -(-CPT // RING) * RING
    EPAD = NW * CPT * CHUNK
    RPT = max(-(-(N + 1) // NS), CHUNK)
    RPT = -(-RPT // 8) * 8

    x = x.astype(jnp.float32)
    src = edge_index[0].astype(jnp.int32)
    dst = edge_index[1].astype(jnp.int32)
    pad = EPAD - E
    src_p = jnp.concatenate([src, jnp.zeros((pad,), jnp.int32)]).reshape(
        NW, CPT, CHUNK)
    dst_p = jnp.concatenate([dst, jnp.full((pad,), N, jnp.int32)]).reshape(
        NW, CPT, CHUNK)
    aug = jnp.concatenate(
        [edge_attr.astype(jnp.float32),
         jnp.ones((E, 1), jnp.float32),
         jnp.zeros((E, AW - ED - 1), jnp.float32)], axis=1)
    aug_p = jnp.concatenate([aug, jnp.zeros((pad, AW), jnp.float32)]).reshape(
        NW, CPT, CHUNK, AW)

    sxp, sap = _sc_aggregate(N, D, CPT, RPT)(x, src_p, dst_p, aug_p)
    out = _tc_combine(N, D, ED)(
        sxp, sap, x, W_edge.astype(jnp.float32),
        b_edge.astype(jnp.float32).reshape(1, D), W_l.astype(jnp.float32),
        b_l.astype(jnp.float32).reshape(1, D), W_r.astype(jnp.float32))
    return out

# --- scband reference (transcript-rebuilt; emitter-appended) ---
"""Pipeline reference for scband-layer-edge-sageconv-24996709662725 (READ-ONLY COPY).

The authoritative reference and input builder live on the scoring server;
editing this copy changes nothing except your own understanding.
"""

import jax, jax.numpy as jnp
import numpy as np

N = 10000
E = 320000
D = 128
ED = 16

def setup_inputs(seed: int = 0) -> dict:
    key = jax.random.key(seed)
    ks = jax.random.split(key, 8)
    x = jax.random.normal(ks[0], (N, D), dtype=jnp.float32)
    edge_index = jax.random.randint(ks[1], (2, E), 0, N).astype(jnp.int64)
    edge_attr = jax.random.normal(ks[2], (E, ED), dtype=jnp.float32)
    # learned params (EdgeSAGEConv with edge_agg='add', edge_dim=16 != in_channels=128)
    W_edge = jax.random.normal(ks[3], (ED, D), dtype=jnp.float32) * (1.0 / np.sqrt(ED))
    b_edge = jnp.zeros((D,), dtype=jnp.float32)
    W_l = jax.random.normal(ks[4], (D, D), dtype=jnp.float32) * (1.0 / np.sqrt(D))
    b_l = jnp.zeros((D,), dtype=jnp.float32)
    W_r = jax.random.normal(ks[5], (D, D), dtype=jnp.float32) * (1.0 / np.sqrt(D))
    return {"x": x, "edge_index": edge_index, "edge_attr": edge_attr,
            "W_edge": W_edge, "b_edge": b_edge, "W_l": W_l, "b_l": b_l, "W_r": W_r}

def reference(x, edge_index, edge_attr, W_edge, b_edge, W_l, b_l, W_r):
    n = x.shape[0]
    src = edge_index[0]  # x_j (source / neighbor)
    dst = edge_index[1]  # x_i (target, aggregation index)
    # message: x_j + map_edges(edge_attr)  (edge_agg='add')
    mapped = edge_attr @ W_edge + b_edge
    msg = jnp.take(x, src, axis=0) + mapped
    # aggr='mean': segment_sum / count
    summed = jax.ops.segment_sum(msg, dst, num_segments=n)
    cnt = jax.ops.segment_sum(jnp.ones((msg.shape[0], 1), dtype=x.dtype), dst, num_segments=n)
    agg = summed / jnp.maximum(cnt, 1.0)
    # out = lin_l(agg) + lin_r(x)
    out = agg @ W_l + b_l + x @ W_r
    return out

if __name__ == "__main__":
    import jax
    _d = setup_inputs()
    print(jax.jit(kernel)(*tuple(_d.values())))

</pallas_src>

<mosaic_0001>
#map = affine_map<(d0, d1) -> (0, 0)>
#map1 = affine_map<(d0, d1) -> (0, 0, 0)>
#map2 = affine_map<(d0, d1) -> (0, 0, 0, 0)>
module attributes {stable_mosaic.version = 14 : i64} {
  func.func @agg(%arg0: i32, %arg1: i32, %arg2: memref<10000x128xf32, #tpu.memory_space<hbm>>, %arg3: memref<32x80x128xi32, #tpu.memory_space<hbm>>, %arg4: memref<32x80x128xi32, #tpu.memory_space<hbm>>, %arg5: memref<32x80x128x32xf32, #tpu.memory_space<hbm>>, %arg6: memref<2x10112x128xf32, #tpu.memory_space<hbm>>, %arg7: memref<2x10112x32xf32, #tpu.memory_space<hbm>>, %arg8: memref<10112x128xf32, #tpu.memory_space<vmem_shared>>, %arg9: memref<10112x32xf32, #tpu.memory_space<vmem_shared>>, %arg10: memref<16x128xi32, #tpu.memory_space<vmem>>, %arg11: memref<16x128xi32, #tpu.memory_space<vmem>>, %arg12: memref<128x32xf32, #tpu.memory_space<vmem>>, %arg13: memref<128x128xf32, #tpu.memory_space<vmem>>, %arg14: memref<!tpu.dma_semaphore, #tpu.memory_space<semaphore_mem>>) attributes {dimension_semantics = [#tpu.dimension_semantics<core_parallel>, #tpu.dimension_semantics<subcore_parallel>], iteration_bounds = array<i64: 2, 16>, scalar_prefetch = 0 : i64, scratch_operands = 7 : i64, tpu.core_type = #tpu.core_type<sc_vector_subcore>, window_params = [{transform_indices = #map}, {transform_indices = #map1}, {transform_indices = #map1}, {transform_indices = #map2}, {transform_indices = #map1}, {transform_indices = #map1}]} {
    %mul3A = arith.constant 2 : i32
    %mul3A_0 = arith.muli %arg1, %mul3A : i32
    %add3A = arith.addi %mul3A_0, %arg0 : i32
    %broadcast_in_dim3A = arith.constant 0.000000e+00 : f32
    %broadcast_in_dim3A_1 = vector.broadcast %broadcast_in_dim3A : f32 to vector<16xf32>
    %scan3A = arith.constant 0 : i32
    %scan3A_2 = arith.constant 0 : i32
    %scan3A_3 = arith.constant 128 : i32
    %scan3A_4 = arith.addi %scan3A_2, %scan3A_3 : i32
    %scan3A_5 = arith.constant 1 : i32
    scf.for %scan3A_46 = %scan3A_2 to %scan3A_4 step %scan3A_5  : i32 {
      %scan3A_47 = arith.constant 0 : i32
      %scan3A_48 = arith.constant 0 : i32
      %scan3A_49 = arith.constant 8 : i32
      %scan3A_50 = arith.addi %scan3A_48, %scan3A_49 : i32
      %scan3A_51 = arith.constant 1 : i32
      scf.for %scan3A_62 = %scan3A_48 to %scan3A_50 step %scan3A_51  : i32 {
        %mul3A_63 = arith.constant 16 : i32
        %mul3A_64 = arith.muli %scan3A_62, %mul3A_63 : i32
        %swap3A_65 = arith.index_cast %scan3A_46 : i32 to index
        %swap3A_66 = arith.index_cast %mul3A_64 : i32 to index
        %swap3A_67 = tpu.vector_load %arg13[%swap3A_65, %swap3A_66] {strides = array<i32>} : memref<128x128xf32, #tpu.memory_space<vmem>>, vector<1x16xf32>,
        %swap3A_68 = vector.shape_cast %swap3A_67 : vector<1x16xf32> to vector<16xf32>
        %swap3A_69 = vector.shape_cast %broadcast_in_dim3A_1 : vector<16xf32> to vector<1x16xf32>
        tpu.vector_store %arg13[%swap3A_65, %swap3A_66], %swap3A_69 {strides = array<i32>} : memref<128x128xf32, #tpu.memory_space<vmem>>, vector<1x16xf32>,
      }
      %scan3A_52 = arith.constant 8 : i32
      %swap3A = arith.index_cast %scan3A_46 : i32 to index
      %swap3A_53 = arith.constant 0 : index
      %swap3A_54 = tpu.vector_load %arg12[%swap3A, %swap3A_53] {strides = array<i32>} : memref<128x32xf32, #tpu.memory_space<vmem>>, vector<1x16xf32>,
      %swap3A_55 = vector.shape_cast %swap3A_54 : vector<1x16xf32> to vector<16xf32>
      %swap3A_56 = vector.shape_cast %broadcast_in_dim3A_1 : vector<16xf32> to vector<1x16xf32>
      tpu.vector_store %arg12[%swap3A, %swap3A_53], %swap3A_56 {strides = array<i32>} : memref<128x32xf32, #tpu.memory_space<vmem>>, vector<1x16xf32>,
      %swap3A_57 = arith.index_cast %scan3A_46 : i32 to index
      %swap3A_58 = arith.constant 16 : index
      %swap3A_59 = tpu.vector_load %arg12[%swap3A_57, %swap3A_58] {strides = array<i32>} : memref<128x32xf32, #tpu.memory_space<vmem>>, vector<1x16xf32>,
      %swap3A_60 = vector.shape_cast %swap3A_59 : vector<1x16xf32> to vector<16xf32>
      %swap3A_61 = vector.shape_cast %broadcast_in_dim3A_1 : vector<16xf32> to vector<1x16xf32>
      tpu.vector_store %arg12[%swap3A_57, %swap3A_58], %swap3A_61 {strides = array<i32>} : memref<128x32xf32, #tpu.memory_space<vmem>>, vector<1x16xf32>,
    }
    %scan3A_6 = arith.constant 128 : i32
    %mul3A_7 = arith.constant 632 : i32
    %mul3A_8 = arith.muli %arg1, %mul3A_7 : i32
    %add3A_9 = arith.constant 0 : i32
    %add3A_10 = arith.addi %mul3A_8, %add3A_9 : i32
    "tpu.region"() ({
      %run_scoped3A = tpu.sem_alloc : memref<!tpu.dma_semaphore, #tpu.memory_space<semaphore_mem>>
      %dma_start3A = arith.constant 0 : i32
      %dma_start3A_46 = tpu.memref_slice %arg8[%add3A_10, %dma_start3A] : memref<10112x128xf32, #tpu.memory_space<vmem_shared>> -> memref<128x128xf32, #tpu.memory_space<vmem_shared>>
      %dma_start3A_47 = arith.constant 0 : i32
      %dma_start3A_48 = tpu.memref_slice %arg8[%add3A_10, %dma_start3A_47] : memref<10112x128xf32, #tpu.memory_space<vmem_shared>> -> memref<128x128xf32, #tpu.memory_space<vmem_shared>>
      tpu.enqueue_dma source(%arg13 : memref<128x128xf32, #tpu.memory_space<vmem>>) target(%dma_start3A_48 : memref<128x128xf32, #tpu.memory_space<vmem_shared>>) target_semaphore(%run_scoped3A : memref<!tpu.dma_semaphore, #tpu.memory_space<semaphore_mem>>)
      %dma_wait3A = arith.constant 0 : i32
      %dma_wait3A_49 = tpu.memref_slice %arg8[%add3A_10, %dma_wait3A] : memref<10112x128xf32, #tpu.memory_space<vmem_shared>> -> memref<128x128xf32, #tpu.memory_space<vmem_shared>>
      %dma_wait3A_50 = arith.constant 0 : i32
      %dma_wait3A_51 = tpu.memref_slice %arg8[%add3A_10, %dma_wait3A_50] : memref<10112x128xf32, #tpu.memory_space<vmem_shared>> -> memref<128x128xf32, #tpu.memory_space<vmem_shared>>
      tpu.wait_dma2 semaphore(%run_scoped3A : memref<!tpu.dma_semaphore, #tpu.memory_space<semaphore_mem>>) src(%arg13 : memref<128x128xf32, #tpu.memory_space<vmem>>) dst(%dma_wait3A_51 : memref<128x128xf32, #tpu.memory_space<vmem_shared>>)
      tpu.yield
    }) : () -> ()
    %add3A_11 = arith.constant 0 : i32
    %add3A_12 = arith.addi %mul3A_8, %add3A_11 : i32
    "tpu.region"() ({
      %run_scoped3A = tpu.sem_alloc : memref<!tpu.dma_semaphore, #tpu.memory_space<semaphore_mem>>
      %dma_start3A = arith.constant 0 : i32
      %dma_start3A_46 = tpu.memref_slice %arg9[%add3A_12, %dma_start3A] : memref<10112x32xf32, #tpu.memory_space<vmem_shared>> -> memref<128x32xf32, #tpu.memory_space<vmem_shared>>
      %dma_start3A_47 = arith.constant 0 : i32
      %dma_start3A_48 = tpu.memref_slice %arg9[%add3A_12, %dma_start3A_47] : memref<10112x32xf32, #tpu.memory_space<vmem_shared>> -> memref<128x32xf32, #tpu.memory_space<vmem_shared>>
      tpu.enqueue_dma source(%arg12 : memref<128x32xf32, #tpu.memory_space<vmem>>) target(%dma_start3A_48 : memref<128x32xf32, #tpu.memory_space<vmem_shared>>) target_semaphore(%run_scoped3A : memref<!tpu.dma_semaphore, #tpu.memory_space<semaphore_mem>>)
      %dma_wait3A = arith.constant 0 : i32
      %dma_wait3A_49 = tpu.memref_slice %arg9[%add3A_12, %dma_wait3A] : memref<10112x32xf32, #tpu.memory_space<vmem_shared>> -> memref<128x32xf32, #tpu.memory_space<vmem_shared>>
      %dma_wait3A_50 = arith.constant 0 : i32
      %dma_wait3A_51 = tpu.memref_slice %arg9[%add3A_12, %dma_wait3A_50] : memref<10112x32xf32, #tpu.memory_space<vmem_shared>> -> memref<128x32xf32, #tpu.memory_space<vmem_shared>>
      tpu.wait_dma2 semaphore(%run_scoped3A : memref<!tpu.dma_semaphore, #tpu.memory_space<semaphore_mem>>) src(%arg12 : memref<128x32xf32, #tpu.memory_space<vmem>>) dst(%dma_wait3A_51 : memref<128x32xf32, #tpu.memory_space<vmem_shared>>)
      tpu.yield
    }) : () -> ()
    %add3A_13 = arith.constant 128 : i32
    %add3A_14 = arith.addi %mul3A_8, %add3A_13 : i32
    "tpu.region"() ({
      %run_scoped3A = tpu.sem_alloc : memref<!tpu.dma_semaphore, #tpu.memory_space<semaphore_mem>>
      %dma_start3A = arith.constant 0 : i32
      %dma_start3A_46 = tpu.memref_slice %arg8[%add3A_14, %dma_start3A] : memref<10112x128xf32, #tpu.memory_space<vmem_shared>> -> memref<128x128xf32, #tpu.memory_space<vmem_shared>>
      %dma_start3A_47 = arith.constant 0 : i32
      %dma_start3A_48 = tpu.memref_slice %arg8[%add3A_14, %dma_start3A_47] : memref<10112x128xf32, #tpu.memory_space<vmem_shared>> -> memref<128x128xf32, #tpu.memory_space<vmem_shared>>
      tpu.enqueue_dma source(%arg13 : memref<128x128xf32, #tpu.memory_space<vmem>>) target(%dma_start3A_48 : memref<128x128xf32, #tpu.memory_space<vmem_shared>>) target_semaphore(%run_scoped3A : memref<!tpu.dma_semaphore, #tpu.memory_space<semaphore_mem>>)
      %dma_wait3A = arith.constant 0 : i32
      %dma_wait3A_49 = tpu.memref_slice %arg8[%add3A_14, %dma_wait3A] : memref<10112x128xf32, #tpu.memory_space<vmem_shared>> -> memref<128x128xf32, #tpu.memory_space<vmem_shared>>
      %dma_wait3A_50 = arith.constant 0 : i32
      %dma_wait3A_51 = tpu.memref_slice %arg8[%add3A_14, %dma_wait3A_50] : memref<10112x128xf32, #tpu.memory_space<vmem_shared>> -> memref<128x128xf32, #tpu.memory_space<vmem_shared>>
      tpu.wait_dma2 semaphore(%run_scoped3A : memref<!tpu.dma_semaphore, #tpu.memory_space<semaphore_mem>>) src(%arg13 : memref<128x128xf32, #tpu.memory_space<vmem>>) dst(%dma_wait3A_51 : memref<128x128xf32, #tpu.memory_space<vmem_shared>>)
      tpu.yield
    }) : () -> ()
    %add3A_15 = arith.constant 128 : i32
    %add3A_16 = arith.addi %mul3A_8, %add3A_15 : i32
    "tpu.region"() ({
      %run_scoped3A = tpu.sem_alloc : memref<!tpu.dma_semaphore, #tpu.memory_space<semaphore_mem>>
      %dma_start3A = arith.constant 0 : i32
      %dma_start3A_46 = tpu.memref_slice %arg9[%add3A_16, %dma_start3A] : memref<10112x32xf32, #tpu.memory_space<vmem_shared>> -> memref<128x32xf32, #tpu.memory_space<vmem_shared>>
      %dma_start3A_47 = arith.constant 0 : i32
      %dma_start3A_48 = tpu.memref_slice %arg9[%add3A_16, %dma_start3A_47] : memref<10112x32xf32, #tpu.memory_space<vmem_shared>> -> memref<128x32xf32, #tpu.memory_space<vmem_shared>>
      tpu.enqueue_dma source(%arg12 : memref<128x32xf32, #tpu.memory_space<vmem>>) target(%dma_start3A_48 : memref<128x32xf32, #tpu.memory_space<vmem_shared>>) target_semaphore(%run_scoped3A : memref<!tpu.dma_semaphore, #tpu.memory_space<semaphore_mem>>)
      %dma_wait3A = arith.constant 0 : i32
      %dma_wait3A_49 = tpu.memref_slice %arg9[%add3A_16, %dma_wait3A] : memref<10112x32xf32, #tpu.memory_space<vmem_shared>> -> memref<128x32xf32, #tpu.memory_space<vmem_shared>>
      %dma_wait3A_50 = arith.constant 0 : i32
      %dma_wait3A_51 = tpu.memref_slice %arg9[%add3A_16, %dma_wait3A_50] : memref<10112x32xf32, #tpu.memory_space<vmem_shared>> -> memref<128x32xf32, #tpu.memory_space<vmem_shared>>
      tpu.wait_dma2 semaphore(%run_scoped3A : memref<!tpu.dma_semaphore, #tpu.memory_space<semaphore_mem>>) src(%arg12 : memref<128x32xf32, #tpu.memory_space<vmem>>) dst(%dma_wait3A_51 : memref<128x32xf32, #tpu.memory_space<vmem_shared>>)
      tpu.yield
    }) : () -> ()
    %add3A_17 = arith.constant 256 : i32
    %add3A_18 = arith.addi %mul3A_8, %add3A_17 : i32
    "tpu.region"() ({
      %run_scoped3A = tpu.sem_alloc : memref<!tpu.dma_semaphore, #tpu.memory_space<semaphore_mem>>
      %dma_start3A = arith.constant 0 : i32
      %dma_start3A_46 = tpu.memref_slice %arg8[%add3A_18, %dma_start3A] : memref<10112x128xf32, #tpu.memory_space<vmem_shared>> -> memref<128x128xf32, #tpu.memory_space<vmem_shared>>
      %dma_start3A_47 = arith.constant 0 : i32
      %dma_start3A_48 = tpu.memref_slice %arg8[%add3A_18, %dma_start3A_47] : memref<10112x128xf32, #tpu.memory_space<vmem_shared>> -> memref<128x128xf32, #tpu.memory_space<vmem_shared>>
      tpu.enqueue_dma source(%arg13 : memref<128x128xf32, #tpu.memory_space<vmem>>) target(%dma_start3A_48 : memref<128x128xf32, #tpu.memory_space<vmem_shared>>) target_semaphore(%run_scoped3A : memref<!tpu.dma_semaphore, #tpu.memory_space<semaphore_mem>>)
      %dma_wait3A = arith.constant 0 : i32
      %dma_wait3A_49 = tpu.memref_slice %arg8[%add3A_18, %dma_wait3A] : memref<10112x128xf32, #tpu.memory_space<vmem_shared>> -> memref<128x128xf32, #tpu.memory_space<vmem_shared>>
      %dma_wait3A_50 = arith.constant 0 : i32
      %dma_wait3A_51 = tpu.memref_slice %arg8[%add3A_18, %dma_wait3A_50] : memref<10112x128xf32, #tpu.memory_space<vmem_shared>> -> memref<128x128xf32, #tpu.memory_space<vmem_shared>>
      tpu.wait_dma2 semaphore(%run_scoped3A : memref<!tpu.dma_semaphore, #tpu.memory_space<semaphore_mem>>) src(%arg13 : memref<128x128xf32, #tpu.memory_space<vmem>>) dst(%dma_wait3A_51 : memref<128x128xf32, #tpu.memory_space<vmem_shared>>)
      tpu.yield
    }) : () -> ()
    %add3A_19 = arith.constant 256 : i32
    %add3A_20 = arith.addi %mul3A_8, %add3A_19 : i32
    "tpu.region"() ({
      %run_scoped3A = tpu.sem_alloc : memref<!tpu.dma_semaphore, #tpu.memory_space<semaphore_mem>>
      %dma_start3A = arith.constant 0 : i32
      %dma_start3A_46 = tpu.memref_slice %arg9[%add3A_20, %dma_start3A] : memref<10112x32xf32, #tpu.memory_space<vmem_shared>> -> memref<128x32xf32, #tpu.memory_space<vmem_shared>>
      %dma_start3A_47 = arith.constant 0 : i32
      %dma_start3A_48 = tpu.memref_slice %arg9[%add3A_20, %dma_start3A_47] : memref<10112x32xf32, #tpu.memory_space<vmem_shared>> -> memref<128x32xf32, #tpu.memory_space<vmem_shared>>
      tpu.enqueue_dma source(%arg12 : memref<128x32xf32, #tpu.memory_space<vmem>>) target(%dma_start3A_48 : memref<128x32xf32, #tpu.memory_space<vmem_shared>>) target_semaphore(%run_scoped3A : memref<!tpu.dma_semaphore, #tpu.memory_space<semaphore_mem>>)
      %dma_wait3A = arith.constant 0 : i32
      %dma_wait3A_49 = tpu.memref_slice %arg9[%add3A_20, %dma_wait3A] : memref<10112x32xf32, #tpu.memory_space<vmem_shared>> -> memref<128x32xf32, #tpu.memory_space<vmem_shared>>
      %dma_wait3A_50 = arith.constant 0 : i32
      %dma_wait3A_51 = tpu.memref_slice %arg9[%add3A_20, %dma_wait3A_50] : memref<10112x32xf32, #tpu.memory_space<vmem_shared>> -> memref<128x32xf32, #tpu.memory_space<vmem_shared>>
      tpu.wait_dma2 semaphore(%run_scoped3A : memref<!tpu.dma_semaphore, #tpu.memory_space<semaphore_mem>>) src(%arg12 : memref<128x32xf32, #tpu.memory_space<vmem>>) dst(%dma_wait3A_51 : memref<128x32xf32, #tpu.memory_space<vmem_shared>>)
      tpu.yield
    }) : () -> ()
    %add3A_21 = arith.constant 384 : i32
    %add3A_22 = arith.addi %mul3A_8, %add3A_21 : i32
    "tpu.region"() ({
      %run_scoped3A = tpu.sem_alloc : memref<!tpu.dma_semaphore, #tpu.memory_space<semaphore_mem>>
      %dma_start3A = arith.constant 0 : i32
      %dma_start3A_46 = tpu.memref_slice %arg8[%add3A_22, %dma_start3A] : memref<10112x128xf32, #tpu.memory_space<vmem_shared>> -> memref<128x128xf32, #tpu.memory_space<vmem_shared>>
      %dma_start3A_47 = arith.constant 0 : i32
      %dma_start3A_48 = tpu.memref_slice %arg8[%add3A_22, %dma_start3A_47] : memref<10112x128xf32, #tpu.memory_space<vmem_shared>> -> memref<128x128xf32, #tpu.memory_space<vmem_shared>>
      tpu.enqueue_dma source(%arg13 : memref<128x128xf32, #tpu.memory_space<vmem>>) target(%dma_start3A_48 : memref<128x128xf32, #tpu.memory_space<vmem_shared>>) target_semaphore(%run_scoped3A : memref<!tpu.dma_semaphore, #tpu.memory_space<semaphore_mem>>)
      %dma_wait3A = arith.constant 0 : i32
      %dma_wait3A_49 = tpu.memref_slice %arg8[%add3A_22, %dma_wait3A] : memref<10112x128xf32, #tpu.memory_space<vmem_shared>> -> memref<128x128xf32, #tpu.memory_space<vmem_shared>>
      %dma_wait3A_50 = arith.constant 0 : i32
      %dma_wait3A_51 = tpu.memref_slice %arg8[%add3A_22, %dma_wait3A_50] : memref<10112x128xf32, #tpu.memory_space<vmem_shared>> -> memref<128x128xf32, #tpu.memory_space<vmem_shared>>
      tpu.wait_dma2 semaphore(%run_scoped3A : memref<!tpu.dma_semaphore, #tpu.memory_space<semaphore_mem>>) src(%arg13 : memref<128x128xf32, #tpu.memory_space<vmem>>) dst(%dma_wait3A_51 : memref<128x128xf32, #tpu.memory_space<vmem_shared>>)
      tpu.yield
    }) : () -> ()
    %add3A_23 = arith.constant 384 : i32
    %add3A_24 = arith.addi %mul3A_8, %add3A_23 : i32
    "tpu.region"() ({
      %run_scoped3A = tpu.sem_alloc : memref<!tpu.dma_semaphore, #tpu.memory_space<semaphore_mem>>
      %dma_start3A = arith.constant 0 : i32
      %dma_start3A_46 = tpu.memref_slice %arg9[%add3A_24, %dma_start3A] : memref<10112x32xf32, #tpu.memory_space<vmem_shared>> -> memref<128x32xf32, #tpu.memory_space<vmem_shared>>
      %dma_start3A_47 = arith.constant 0 : i32
      %dma_start3A_48 = tpu.memref_slice %arg9[%add3A_24, %dma_start3A_47] : memref<10112x32xf32, #tpu.memory_space<vmem_shared>> -> memref<128x32xf32, #tpu.memory_space<vmem_shared>>
      tpu.enqueue_dma source(%arg12 : memref<128x32xf32, #tpu.memory_space<vmem>>) target(%dma_start3A_48 : memref<128x32xf32, #tpu.memory_space<vmem_shared>>) target_semaphore(%run_scoped3A : memref<!tpu.dma_semaphore, #tpu.memory_space<semaphore_mem>>)
      %dma_wait3A = arith.constant 0 : i32
      %dma_wait3A_49 = tpu.memref_slice %arg9[%add3A_24, %dma_wait3A] : memref<10112x32xf32, #tpu.memory_space<vmem_shared>> -> memref<128x32xf32, #tpu.memory_space<vmem_shared>>
      %dma_wait3A_50 = arith.constant 0 : i32
      %dma_wait3A_51 = tpu.memref_slice %arg9[%add3A_24, %dma_wait3A_50] : memref<10112x32xf32, #tpu.memory_space<vmem_shared>> -> memref<128x32xf32, #tpu.memory_space<vmem_shared>>
      tpu.wait_dma2 semaphore(%run_scoped3A : memref<!tpu.dma_semaphore, #tpu.memory_space<semaphore_mem>>) src(%arg12 : memref<128x32xf32, #tpu.memory_space<vmem>>) dst(%dma_wait3A_51 : memref<128x32xf32, #tpu.memory_space<vmem_shared>>)
      tpu.yield
    }) : () -> ()
    %add3A_25 = arith.constant 504 : i32
    %add3A_26 = arith.addi %mul3A_8, %add3A_25 : i32
    "tpu.region"() ({
      %run_scoped3A = tpu.sem_alloc : memref<!tpu.dma_semaphore, #tpu.memory_space<semaphore_mem>>
      %dma_start3A = arith.constant 0 : i32
      %dma_start3A_46 = tpu.memref_slice %arg8[%add3A_26, %dma_start3A] : memref<10112x128xf32, #tpu.memory_space<vmem_shared>> -> memref<128x128xf32, #tpu.memory_space<vmem_shared>>
      %dma_start3A_47 = arith.constant 0 : i32
      %dma_start3A_48 = tpu.memref_slice %arg8[%add3A_26, %dma_start3A_47] : memref<10112x128xf32, #tpu.memory_space<vmem_shared>> -> memref<128x128xf32, #tpu.memory_space<vmem_shared>>
      tpu.enqueue_dma source(%arg13 : memref<128x128xf32, #tpu.memory_space<vmem>>) target(%dma_start3A_48 : memref<128x128xf32, #tpu.memory_space<vmem_shared>>) target_semaphore(%run_scoped3A : memref<!tpu.dma_semaphore, #tpu.memory_space<semaphore_mem>>)
      %dma_wait3A = arith.constant 0 : i32
      %dma_wait3A_49 = tpu.memref_slice %arg8[%add3A_26, %dma_wait3A] : memref<10112x128xf32, #tpu.memory_space<vmem_shared>> -> memref<128x128xf32, #tpu.memory_space<vmem_shared>>
      %dma_wait3A_50 = arith.constant 0 : i32
      %dma_wait3A_51 = tpu.memref_slice %arg8[%add3A_26, %dma_wait3A_50] : memref<10112x128xf32, #tpu.memory_space<vmem_shared>> -> memref<128x128xf32, #tpu.memory_space<vmem_shared>>
      tpu.wait_dma2 semaphore(%run_scoped3A : memref<!tpu.dma_semaphore, #tpu.memory_space<semaphore_mem>>) src(%arg13 : memref<128x128xf32, #tpu.memory_space<vmem>>) dst(%dma_wait3A_51 : memref<128x128xf32, #tpu.memory_space<vmem_shared>>)
      tpu.yield
    }) : () -> ()
    %add3A_27 = arith.constant 504 : i32
    %add3A_28 = arith.addi %mul3A_8, %add3A_27 : i32
    "tpu.region"() ({
      %run_scoped3A = tpu.sem_alloc : memref<!tpu.dma_semaphore, #tpu.memory_space<semaphore_mem>>
      %dma_start3A = arith.constant 0 : i32
      %dma_start3A_46 = tpu.memref_slice %arg9[%add3A_28, %dma_start3A] : memref<10112x32xf32, #tpu.memory_space<vmem_shared>> -> memref<128x32xf32, #tpu.memory_space<vmem_shared>>
      %dma_start3A_47 = arith.constant 0 : i32
      %dma_start3A_48 = tpu.memref_slice %arg9[%add3A_28, %dma_start3A_47] : memref<10112x32xf32, #tpu.memory_space<vmem_shared>> -> memref<128x32xf32, #tpu.memory_space<vmem_shared>>
      tpu.enqueue_dma source(%arg12 : memref<128x32xf32, #tpu.memory_space<vmem>>) target(%dma_start3A_48 : memref<128x32xf32, #tpu.memory_space<vmem_shared>>) target_semaphore(%run_scoped3A : memref<!tpu.dma_semaphore, #tpu.memory_space<semaphore_mem>>)
      %dma_wait3A = arith.constant 0 : i32
      %dma_wait3A_49 = tpu.memref_slice %arg9[%add3A_28, %dma_wait3A] : memref<10112x32xf32, #tpu.memory_space<vmem_shared>> -> memref<128x32xf32, #tpu.memory_space<vmem_shared>>
      %dma_wait3A_50 = arith.constant 0 : i32
      %dma_wait3A_51 = tpu.memref_slice %arg9[%add3A_28, %dma_wait3A_50] : memref<10112x32xf32, #tpu.memory_space<vmem_shared>> -> memref<128x32xf32, #tpu.memory_space<vmem_shared>>
      tpu.wait_dma2 semaphore(%run_scoped3A : memref<!tpu.dma_semaphore, #tpu.memory_space<semaphore_mem>>) src(%arg12 : memref<128x32xf32, #tpu.memory_space<vmem>>) dst(%dma_wait3A_51 : memref<128x32xf32, #tpu.memory_space<vmem_shared>>)
      tpu.yield
    }) : () -> ()
    %barrier3A = arith.constant 0 : index
    tpu.barrier barrier_id(%barrier3A)
    %scan3A_29 = arith.constant 0 : i32
    %scan3A_30 = arith.constant 0 : i32
    %scan3A_31 = arith.constant 5 : i32
    %scan3A_32 = arith.addi %scan3A_30, %scan3A_31 : i32
    %scan3A_33 = arith.constant 1 : i32
    scf.for %scan3A_46 = %scan3A_30 to %scan3A_32 step %scan3A_33  : i32 {
      %mul3A_47 = arith.constant 16 : i32
      %mul3A_48 = arith.muli %scan3A_46, %mul3A_47 : i32
      "tpu.region"() ({
        %run_scoped3A = tpu.sem_alloc : memref<!tpu.dma_semaphore, #tpu.memory_space<semaphore_mem>>
        %dma_start3A = arith.constant 0 : i32
        %dma_start3A_57 = tpu.memref_slice %arg3[%add3A, %mul3A_48, %dma_start3A] : memref<32x80x128xi32, #tpu.memory_space<hbm>> -> memref<1x16x128xi32, #tpu.memory_space<hbm>>
        %dma_start3A_58 = tpu.memref_squeeze %dma_start3A_57 : memref<1x16x128xi32, #tpu.memory_space<hbm>> -> memref<16x128xi32, #tpu.memory_space<hbm>>
        %dma_start3A_59 = arith.constant 0 : i32
        %dma_start3A_60 = tpu.memref_slice %arg3[%add3A, %mul3A_48, %dma_start3A_59] : memref<32x80x128xi32, #tpu.memory_space<hbm>> -> memref<1x16x128xi32, #tpu.memory_space<hbm>>
        %dma_start3A_61 = tpu.memref_squeeze %dma_start3A_60 : memref<1x16x128xi32, #tpu.memory_space<hbm>> -> memref<16x128xi32, #tpu.memory_space<hbm>>
        tpu.enqueue_dma source(%dma_start3A_61 : memref<16x128xi32, #tpu.memory_space<hbm>>) target(%arg10 : memref<16x128xi32, #tpu.memory_space<vmem>>) target_semaphore(%run_scoped3A : memref<!tpu.dma_semaphore, #tpu.memory_space<semaphore_mem>>)
        %dma_wait3A = arith.constant 0 : i32
        %dma_wait3A_62 = tpu.memref_slice %arg3[%add3A, %mul3A_48, %dma_wait3A] : memref<32x80x128xi32, #tpu.memory_space<hbm>> -> memref<1x16x128xi32, #tpu.memory_space<hbm>>
        %dma_wait3A_63 = tpu.memref_squeeze %dma_wait3A_62 : memref<1x16x128xi32, #tpu.memory_space<hbm>> -> memref<16x128xi32, #tpu.memory_space<hbm>>
        %dma_wait3A_64 = arith.constant 0 : i32
        %dma_wait3A_65 = tpu.memref_slice %arg3[%add3A, %mul3A_48, %dma_wait3A_64] : memref<32x80x128xi32, #tpu.memory_space<hbm>> -> memref<1x16x128xi32, #tpu.memory_space<hbm>>
        %dma_wait3A_66 = tpu.memref_squeeze %dma_wait3A_65 : memref<1x16x128xi32, #tpu.memory_space<hbm>> -> memref<16x128xi32, #tpu.memory_space<hbm>>
        tpu.wait_dma2 semaphore(%run_scoped3A : memref<!tpu.dma_semaphore, #tpu.memory_space<semaphore_mem>>) src(%dma_wait3A_66 : memref<16x128xi32, #tpu.memory_space<hbm>>) dst(%arg10 : memref<16x128xi32, #tpu.memory_space<vmem>>)
        tpu.yield
      }) : () -> ()
      %mul3A_49 = arith.constant 16 : i32
      %mul3A_50 = arith.muli %scan3A_46, %mul3A_49 : i32
      "tpu.region"() ({
        %run_scoped3A = tpu.sem_alloc : memref<!tpu.dma_semaphore, #tpu.memory_space<semaphore_mem>>
        %dma_start3A = arith.constant 0 : i32
        %dma_start3A_57 = tpu.memref_slice %arg4[%add3A, %mul3A_50, %dma_start3A] : memref<32x80x128xi32, #tpu.memory_space<hbm>> -> memref<1x16x128xi32, #tpu.memory_space<hbm>>
        %dma_start3A_58 = tpu.memref_squeeze %dma_start3A_57 : memref<1x16x128xi32, #tpu.memory_space<hbm>> -> memref<16x128xi32, #tpu.memory_space<hbm>>
        %dma_start3A_59 = arith.constant 0 : i32
        %dma_start3A_60 = tpu.memref_slice %arg4[%add3A, %mul3A_50, %dma_start3A_59] : memref<32x80x128xi32, #tpu.memory_space<hbm>> -> memref<1x16x128xi32, #tpu.memory_space<hbm>>
        %dma_start3A_61 = tpu.memref_squeeze %dma_start3A_60 : memref<1x16x128xi32, #tpu.memory_space<hbm>> -> memref<16x128xi32, #tpu.memory_space<hbm>>
        tpu.enqueue_dma source(%dma_start3A_61 : memref<16x128xi32, #tpu.memory_space<hbm>>) target(%arg11 : memref<16x128xi32, #tpu.memory_space<vmem>>) target_semaphore(%run_scoped3A : memref<!tpu.dma_semaphore, #tpu.memory_space<semaphore_mem>>)
        %dma_wait3A = arith.constant 0 : i32
        %dma_wait3A_62 = tpu.memref_slice %arg4[%add3A, %mul3A_50, %dma_wait3A] : memref<32x80x128xi32, #tpu.memory_space<hbm>> -> memref<1x16x128xi32, #tpu.memory_space<hbm>>
        %dma_wait3A_63 = tpu.memref_squeeze %dma_wait3A_62 : memref<1x16x128xi32, #tpu.memory_space<hbm>> -> memref<16x128xi32, #tpu.memory_space<hbm>>
        %dma_wait3A_64 = arith.constant 0 : i32
        %dma_wait3A_65 = tpu.memref_slice %arg4[%add3A, %mul3A_50, %dma_wait3A_64] : memref<32x80x128xi32, #tpu.memory_space<hbm>> -> memref<1x16x128xi32, #tpu.memory_space<hbm>>
        %dma_wait3A_66 = tpu.memref_squeeze %dma_wait3A_65 : memref<1x16x128xi32, #tpu.memory_space<hbm>> -> memref<16x128xi32, #tpu.memory_space<hbm>>
        tpu.wait_dma2 semaphore(%run_scoped3A : memref<!tpu.dma_semaphore, #tpu.memory_space<semaphore_mem>>) src(%dma_wait3A_66 : memref<16x128xi32, #tpu.memory_space<hbm>>) dst(%arg11 : memref<16x128xi32, #tpu.memory_space<vmem>>)
        tpu.yield
      }) : () -> ()
      %scan3A_51 = arith.constant 0 : i32
      %scan3A_52 = arith.constant 0 : i32
      %scan3A_53 = arith.constant 16 : i32
      %scan3A_54 = arith.addi %scan3A_52, %scan3A_53 : i32
      %scan3A_55 = arith.constant 1 : i32
      scf.for %scan3A_57 = %scan3A_52 to %scan3A_54 step %scan3A_55  : i32 {
        %mul3A_58 = arith.constant 16 : i32
        %mul3A_59 = arith.muli %scan3A_46, %mul3A_58 : i32
        %add3A_60 = arith.addi %mul3A_59, %scan3A_57 : i32
        "tpu.region"() ({
          %run_scoped3A = tpu.sem_alloc : memref<!tpu.dma_semaphore, #tpu.memory_space<semaphore_mem>>
          %dma_start3A_71 = arith.constant 0 : i32
          %dma_start3A_72 = arith.constant 0 : i32
          %dma_start3A_73 = tpu.memref_slice %arg5[%add3A, %add3A_60, %dma_start3A_71, %dma_start3A_72] : memref<32x80x128x32xf32, #tpu.memory_space<hbm>> -> memref<1x1x128x32xf32, #tpu.memory_space<hbm>>
          %dma_start3A_74 = tpu.memref_squeeze %dma_start3A_73 : memref<1x1x128x32xf32, #tpu.memory_space<hbm>> -> memref<128x32xf32, #tpu.memory_space<hbm>>
          %dma_start3A_75 = arith.constant 0 : i32
          %dma_start3A_76 = arith.constant 0 : i32
          %dma_start3A_77 = tpu.memref_slice %arg5[%add3A, %add3A_60, %dma_start3A_75, %dma_start3A_76] : memref<32x80x128x32xf32, #tpu.memory_space<hbm>> -> memref<1x1x128x32xf32, #tpu.memory_space<hbm>>
          %dma_start3A_78 = tpu.memref_squeeze %dma_start3A_77 : memref<1x1x128x32xf32, #tpu.memory_space<hbm>> -> memref<128x32xf32, #tpu.memory_space<hbm>>
          tpu.enqueue_dma source(%dma_start3A_78 : memref<128x32xf32, #tpu.memory_space<hbm>>) target(%arg12 : memref<128x32xf32, #tpu.memory_space<vmem>>) target_semaphore(%run_scoped3A : memref<!tpu.dma_semaphore, #tpu.memory_space<semaphore_mem>>)
          %dma_wait3A_79 = arith.constant 0 : i32
          %dma_wait3A_80 = arith.constant 0 : i32
          %dma_wait3A_81 = tpu.memref_slice %arg5[%add3A, %add3A_60, %dma_wait3A_79, %dma_wait3A_80] : memref<32x80x128x32xf32, #tpu.memory_space<hbm>> -> memref<1x1x128x32xf32, #tpu.memory_space<hbm>>
          %dma_wait3A_82 = tpu.memref_squeeze %dma_wait3A_81 : memref<1x1x128x32xf32, #tpu.memory_space<hbm>> -> memref<128x32xf32, #tpu.memory_space<hbm>>
          %dma_wait3A_83 = arith.constant 0 : i32
          %dma_wait3A_84 = arith.constant 0 : i32
          %dma_wait3A_85 = tpu.memref_slice %arg5[%add3A, %add3A_60, %dma_wait3A_83, %dma_wait3A_84] : memref<32x80x128x32xf32, #tpu.memory_space<hbm>> -> memref<1x1x128x32xf32, #tpu.memory_space<hbm>>
          %dma_wait3A_86 = tpu.memref_squeeze %dma_wait3A_85 : memref<1x1x128x32xf32, #tpu.memory_space<hbm>> -> memref<128x32xf32, #tpu.memory_space<hbm>>
          tpu.wait_dma2 semaphore(%run_scoped3A : memref<!tpu.dma_semaphore, #tpu.memory_space<semaphore_mem>>) src(%dma_wait3A_86 : memref<128x32xf32, #tpu.memory_space<hbm>>) dst(%arg12 : memref<128x32xf32, #tpu.memory_space<vmem>>)
          tpu.yield
        }) : () -> ()
        %dma_start3A = arith.constant 0 : i32
        %dma_start3A_61 = tpu.memref_slice %arg10[%scan3A_57, %dma_start3A] : memref<16x128xi32, #tpu.memory_space<vmem>> -> memref<1x128xi32, #tpu.memory_space<vmem>>
        %dma_start3A_62 = tpu.memref_squeeze %dma_start3A_61 : memref<1x128xi32, #tpu.memory_space<vmem>> -> memref<128xi32, #tpu.memory_space<vmem>>
        %dma_start3A_63 = arith.constant 0 : i32
        %dma_start3A_64 = arith.constant 0 : i32
        %dma_start3A_65 = tpu.memref_slice %arg2[%dma_start3A_63, %dma_start3A_64] : memref<10000x128xf32, #tpu.memory_space<hbm>> -> memref<10000x128xf32, #tpu.memory_space<hbm>>
        tpu.enqueue_indirect_dma source(%dma_start3A_65 : memref<10000x128xf32, #tpu.memory_space<hbm>>) target(%arg13 : memref<128x128xf32, #tpu.memory_space<vmem>>) offsets(%dma_start3A_62 : memref<128xi32, #tpu.memory_space<vmem>>) semaphore(%arg14 : memref<!tpu.dma_semaphore, #tpu.memory_space<semaphore_mem>>)
        %dma_wait3A = arith.constant 0 : i32
        %dma_wait3A_66 = tpu.memref_slice %arg10[%scan3A_57, %dma_wait3A] : memref<16x128xi32, #tpu.memory_space<vmem>> -> memref<1x128xi32, #tpu.memory_space<vmem>>
        %dma_wait3A_67 = tpu.memref_squeeze %dma_wait3A_66 : memref<1x128xi32, #tpu.memory_space<vmem>> -> memref<128xi32, #tpu.memory_space<vmem>>
        %dma_wait3A_68 = arith.constant 0 : i32
        %dma_wait3A_69 = arith.constant 0 : i32
        %dma_wait3A_70 = tpu.memref_slice %arg2[%dma_wait3A_68, %dma_wait3A_69] : memref<10000x128xf32, #tpu.memory_space<hbm>> -> memref<10000x128xf32, #tpu.memory_space<hbm>>
        tpu.wait_indirect_dma semaphore(%arg14 : memref<!tpu.dma_semaphore, #tpu.memory_space<semaphore_mem>>) src(%dma_wait3A_70 : memref<10000x128xf32, #tpu.memory_space<hbm>>) dst(%arg13 : memref<128x128xf32, #tpu.memory_space<vmem>>)
        "tpu.region"() ({
          %run_scoped3A = tpu.sem_alloc : memref<!tpu.dma_semaphore, #tpu.memory_space<semaphore_mem>>
          %dma_start3A_71 = arith.constant 0 : i32
          %dma_start3A_72 = tpu.memref_slice %arg11[%scan3A_57, %dma_start3A_71] : memref<16x128xi32, #tpu.memory_space<vmem>> -> memref<1x128xi32, #tpu.memory_space<vmem>>
          %dma_start3A_73 = tpu.memref_squeeze %dma_start3A_72 : memref<1x128xi32, #tpu.memory_space<vmem>> -> memref<128xi32, #tpu.memory_space<vmem>>
          %dma_start3A_74 = arith.constant 0 : i32
          %dma_start3A_75 = arith.constant 0 : i32
          %dma_start3A_76 = tpu.memref_slice %arg8[%dma_start3A_74, %dma_start3A_75] : memref<10112x128xf32, #tpu.memory_space<vmem_shared>> -> memref<10112x128xf32, #tpu.memory_space<vmem_shared>>
          tpu.enqueue_indirect_dma source(%arg13 : memref<128x128xf32, #tpu.memory_space<vmem>>) target(%dma_start3A_76 : memref<10112x128xf32, #tpu.memory_space<vmem_shared>>) offsets(%dma_start3A_73 : memref<128xi32, #tpu.memory_space<vmem>>) semaphore(%run_scoped3A : memref<!tpu.dma_semaphore, #tpu.memory_space<semaphore_mem>>) {add = true}
          %dma_wait3A_77 = arith.constant 0 : i32
          %dma_wait3A_78 = tpu.memref_slice %arg11[%scan3A_57, %dma_wait3A_77] : memref<16x128xi32, #tpu.memory_space<vmem>> -> memref<1x128xi32, #tpu.memory_space<vmem>>
          %dma_wait3A_79 = tpu.memref_squeeze %dma_wait3A_78 : memref<1x128xi32, #tpu.memory_space<vmem>> -> memref<128xi32, #tpu.memory_space<vmem>>
          %dma_wait3A_80 = arith.constant 0 : i32
          %dma_wait3A_81 = arith.constant 0 : i32
          %dma_wait3A_82 = tpu.memref_slice %arg8[%dma_wait3A_80, %dma_wait3A_81] : memref<10112x128xf32, #tpu.memory_space<vmem_shared>> -> memref<10112x128xf32, #tpu.memory_space<vmem_shared>>
          tpu.wait_indirect_dma semaphore(%run_scoped3A : memref<!tpu.dma_semaphore, #tpu.memory_space<semaphore_mem>>) src(%arg13 : memref<128x128xf32, #tpu.memory_space<vmem>>) dst(%dma_wait3A_82 : memref<10112x128xf32, #tpu.memory_space<vmem_shared>>)
          tpu.yield
        }) : () -> ()
        "tpu.region"() ({
          %run_scoped3A = tpu.sem_alloc : memref<!tpu.dma_semaphore, #tpu.memory_space<semaphore_mem>>
          %dma_start3A_71 = arith.constant 0 : i32
          %dma_start3A_72 = tpu.memref_slice %arg11[%scan3A_57, %dma_start3A_71] : memref<16x128xi32, #tpu.memory_space<vmem>> -> memref<1x128xi32, #tpu.memory_space<vmem>>
          %dma_start3A_73 = tpu.memref_squeeze %dma_start3A_72 : memref<1x128xi32, #tpu.memory_space<vmem>> -> memref<128xi32, #tpu.memory_space<vmem>>
          %dma_start3A_74 = arith.constant 0 : i32
          %dma_start3A_75 = arith.constant 0 : i32
          %dma_start3A_76 = tpu.memref_slice %arg9[%dma_start3A_74, %dma_start3A_75] : memref<10112x32xf32, #tpu.memory_space<vmem_shared>> -> memref<10112x32xf32, #tpu.memory_space<vmem_shared>>
          tpu.enqueue_indirect_dma source(%arg12 : memref<128x32xf32, #tpu.memory_space<vmem>>) target(%dma_start3A_76 : memref<10112x32xf32, #tpu.memory_space<vmem_shared>>) offsets(%dma_start3A_73 : memref<128xi32, #tpu.memory_space<vmem>>) semaphore(%run_scoped3A : memref<!tpu.dma_semaphore, #tpu.memory_space<semaphore_mem>>) {add = true}
          %dma_wait3A_77 = arith.constant 0 : i32
          %dma_wait3A_78 = tpu.memref_slice %arg11[%scan3A_57, %dma_wait3A_77] : memref<16x128xi32, #tpu.memory_space<vmem>> -> memref<1x128xi32, #tpu.memory_space<vmem>>
          %dma_wait3A_79 = tpu.memref_squeeze %dma_wait3A_78 : memref<1x128xi32, #tpu.memory_space<vmem>> -> memref<128xi32, #tpu.memory_space<vmem>>
          %dma_wait3A_80 = arith.constant 0 : i32
          %dma_wait3A_81 = arith.constant 0 : i32
          %dma_wait3A_82 = tpu.memref_slice %arg9[%dma_wait3A_80, %dma_wait3A_81] : memref<10112x32xf32, #tpu.memory_space<vmem_shared>> -> memref<10112x32xf32, #tpu.memory_space<vmem_shared>>
          tpu.wait_indirect_dma semaphore(%run_scoped3A : memref<!tpu.dma_semaphore, #tpu.memory_space<semaphore_mem>>) src(%arg12 : memref<128x32xf32, #tpu.memory_space<vmem>>) dst(%dma_wait3A_82 : memref<10112x32xf32, #tpu.memory_space<vmem_shared>>)
          tpu.yield
        }) : () -> ()
      }
      %scan3A_56 = arith.constant 16 : i32
    }
    %scan3A_34 = arith.constant 5 : i32
    %barrier3A_35 = arith.constant 0 : index
    tpu.barrier barrier_id(%barrier3A_35)
    %add3A_36 = arith.constant 0 : i32
    %add3A_37 = arith.addi %mul3A_8, %add3A_36 : i32
    "tpu.region"() ({
      %run_scoped3A = tpu.sem_alloc : memref<!tpu.dma_semaphore, #tpu.memory_space<semaphore_mem>>
      %dma_start3A = arith.constant 0 : i32
      %dma_start3A_46 = tpu.memref_slice %arg8[%add3A_37, %dma_start3A] : memref<10112x128xf32, #tpu.memory_space<vmem_shared>> -> memref<128x128xf32, #tpu.memory_space<vmem_shared>>
      %dma_start3A_47 = arith.constant 0 : i32
      %dma_start3A_48 = tpu.memref_slice %arg8[%add3A_37, %dma_start3A_47] : memref<10112x128xf32, #tpu.memory_space<vmem_shared>> -> memref<128x128xf32, #tpu.memory_space<vmem_shared>>
      tpu.enqueue_dma source(%dma_start3A_48 : memref<128x128xf32, #tpu.memory_space<vmem_shared>>) target(%arg13 : memref<128x128xf32, #tpu.memory_space<vmem>>) target_semaphore(%run_scoped3A : memref<!tpu.dma_semaphore, #tpu.memory_space<semaphore_mem>>)
      %dma_wait3A = arith.constant 0 : i32
      %dma_wait3A_49 = tpu.memref_slice %arg8[%add3A_37, %dma_wait3A] : memref<10112x128xf32, #tpu.memory_space<vmem_shared>> -> memref<128x128xf32, #tpu.memory_space<vmem_shared>>
      %dma_wait3A_50 = arith.constant 0 : i32
      %dma_wait3A_51 = tpu.memref_slice %arg8[%add3A_37, %dma_wait3A_50] : memref<10112x128xf32, #tpu.memory_space<vmem_shared>> -> memref<128x128xf32, #tpu.memory_space<vmem_shared>>
      tpu.wait_dma2 semaphore(%run_scoped3A : memref<!tpu.dma_semaphore, #tpu.memory_space<semaphore_mem>>) src(%dma_wait3A_51 : memref<128x128xf32, #tpu.memory_space<vmem_shared>>) dst(%arg13 : memref<128x128xf32, #tpu.memory_space<vmem>>)
      tpu.yield
    }) : () -> ()
    "tpu.region"() ({
      %run_scoped3A = tpu.sem_alloc : memref<!tpu.dma_semaphore, #tpu.memory_space<semaphore_mem>>
      %dma_start3A = arith.constant 0 : i32
      %dma_start3A_46 = tpu.memref_slice %arg6[%arg0, %add3A_37, %dma_start3A] : memref<2x10112x128xf32, #tpu.memory_space<hbm>> -> memref<1x128x128xf32, #tpu.memory_space<hbm>>
      %dma_start3A_47 = tpu.memref_squeeze %dma_start3A_46 : memref<1x128x128xf32, #tpu.memory_space<hbm>> -> memref<128x128xf32, #tpu.memory_space<hbm>>
      %dma_start3A_48 = arith.constant 0 : i32
      %dma_start3A_49 = tpu.memref_slice %arg6[%arg0, %add3A_37, %dma_start3A_48] : memref<2x10112x128xf32, #tpu.memory_space<hbm>> -> memref<1x128x128xf32, #tpu.memory_space<hbm>>
      %dma_start3A_50 = tpu.memref_squeeze %dma_start3A_49 : memref<1x128x128xf32, #tpu.memory_space<hbm>> -> memref<128x128xf32, #tpu.memory_space<hbm>>
      tpu.enqueue_dma source(%arg13 : memref<128x128xf32, #tpu.memory_space<vmem>>) target(%dma_start3A_50 : memref<128x128xf32, #tpu.memory_space<hbm>>) target_semaphore(%run_scoped3A : memref<!tpu.dma_semaphore, #tpu.memory_space<semaphore_mem>>)
      %dma_wait3A = arith.constant 0 : i32
      %dma_wait3A_51 = tpu.memref_slice %arg6[%arg0, %add3A_37, %dma_wait3A] : memref<2x10112x128xf32, #tpu.memory_space<hbm>> -> memref<1x128x128xf32, #tpu.memory_space<hbm>>
      %dma_wait3A_52 = tpu.memref_squeeze %dma_wait3A_51 : memref<1x128x128xf32, #tpu.memory_space<hbm>> -> memref<128x128xf32, #tpu.memory_space<hbm>>
      %dma_wait3A_53 = arith.constant 0 : i32
      %dma_wait3A_54 = tpu.memref_slice %arg6[%arg0, %add3A_37, %dma_wait3A_53] : memref<2x10112x128xf32, #tpu.memory_space<hbm>> -> memref<1x128x128xf32, #tpu.memory_space<hbm>>
      %dma_wait3A_55 = tpu.memref_squeeze %dma_wait3A_54 : memref<1x128x128xf32, #tpu.memory_space<hbm>> -> memref<128x128xf32, #tpu.memory_space<hbm>>
      tpu.wait_dma2 semaphore(%run_scoped3A : memref<!tpu.dma_semaphore, #tpu.memory_space<semaphore_mem>>) src(%arg13 : memref<128x128xf32, #tpu.memory_space<vmem>>) dst(%dma_wait3A_55 : memref<128x128xf32, #tpu.memory_space<hbm>>)
      tpu.yield
    }) : () -> ()
    "tpu.region"() ({
      %run_scoped3A = tpu.sem_alloc : memref<!tpu.dma_semaphore, #tpu.memory_space<semaphore_mem>>
      %dma_start3A = arith.constant 0 : i32
      %dma_start3A_46 = tpu.memref_slice %arg9[%add3A_37, %dma_start3A] : memref<10112x32xf32, #tpu.memory_space<vmem_shared>> -> memref<128x32xf32, #tpu.memory_space<vmem_shared>>
      %dma_start3A_47 = arith.constant 0 : i32
      %dma_start3A_48 = tpu.memref_slice %arg9[%add3A_37, %dma_start3A_47] : memref<10112x32xf32, #tpu.memory_space<vmem_shared>> -> memref<128x32xf32, #tpu.memory_space<vmem_shared>>
      tpu.enqueue_dma source(%dma_start3A_48 : memref<128x32xf32, #tpu.memory_space<vmem_shared>>) target(%arg12 : memref<128x32xf32, #tpu.memory_space<vmem>>) target_semaphore(%run_scoped3A : memref<!tpu.dma_semaphore, #tpu.memory_space<semaphore_mem>>)
      %dma_wait3A = arith.constant 0 : i32
      %dma_wait3A_49 = tpu.memref_slice %arg9[%add3A_37, %dma_wait3A] : memref<10112x32xf32, #tpu.memory_space<vmem_shared>> -> memref<128x32xf32, #tpu.memory_space<vmem_shared>>
      %dma_wait3A_50 = arith.constant 0 : i32
      %dma_wait3A_51 = tpu.memref_slice %arg9[%add3A_37, %dma_wait3A_50] : memref<10112x32xf32, #tpu.memory_space<vmem_shared>> -> memref<128x32xf32, #tpu.memory_space<vmem_shared>>
      tpu.wait_dma2 semaphore(%run_scoped3A : memref<!tpu.dma_semaphore, #tpu.memory_space<semaphore_mem>>) src(%dma_wait3A_51 : memref<128x32xf32, #tpu.memory_space<vmem_shared>>) dst(%arg12 : memref<128x32xf32, #tpu.memory_space<vmem>>)
      tpu.yield
    }) : () -> ()
    "tpu.region"() ({
      %run_scoped3A = tpu.sem_alloc : memref<!tpu.dma_semaphore, #tpu.memory_space<semaphore_mem>>
      %dma_start3A = arith.constant 0 : i32
      %dma_start3A_46 = tpu.memref_slice %arg7[%arg0, %add3A_37, %dma_start3A] : memref<2x10112x32xf32, #tpu.memory_space<hbm>> -> memref<1x128x32xf32, #tpu.memory_space<hbm>>
      %dma_start3A_47 = tpu.memref_squeeze %dma_start3A_46 : memref<1x128x32xf32, #tpu.memory_space<hbm>> -> memref<128x32xf32, #tpu.memory_space<hbm>>
      %dma_start3A_48 = arith.constant 0 : i32
      %dma_start3A_49 = tpu.memref_slice %arg7[%arg0, %add3A_37, %dma_start3A_48] : memref<2x10112x32xf32, #tpu.memory_space<hbm>> -> memref<1x128x32xf32, #tpu.memory_space<hbm>>
      %dma_start3A_50 = tpu.memref_squeeze %dma_start3A_49 : memref<1x128x32xf32, #tpu.memory_space<hbm>> -> memref<128x32xf32, #tpu.memory_space<hbm>>
      tpu.enqueue_dma source(%arg12 : memref<128x32xf32, #tpu.memory_space<vmem>>) target(%dma_start3A_50 : memref<128x32xf32, #tpu.memory_space<hbm>>) target_semaphore(%run_scoped3A : memref<!tpu.dma_semaphore, #tpu.memory_space<semaphore_mem>>)
      %dma_wait3A = arith.constant 0 : i32
      %dma_wait3A_51 = tpu.memref_slice %arg7[%arg0, %add3A_37, %dma_wait3A] : memref<2x10112x32xf32, #tpu.memory_space<hbm>> -> memref<1x128x32xf32, #tpu.memory_space<hbm>>
      %dma_wait3A_52 = tpu.memref_squeeze %dma_wait3A_51 : memref<1x128x32xf32, #tpu.memory_space<hbm>> -> memref<128x32xf32, #tpu.memory_space<hbm>>
      %dma_wait3A_53 = arith.constant 0 : i32
      %dma_wait3A_54 = tpu.memref_slice %arg7[%arg0, %add3A_37, %dma_wait3A_53] : memref<2x10112x32xf32, #tpu.memory_space<hbm>> -> memref<1x128x32xf32, #tpu.memory_space<hbm>>
      %dma_wait3A_55 = tpu.memref_squeeze %dma_wait3A_54 : memref<1x128x32xf32, #tpu.memory_space<hbm>> -> memref<128x32xf32, #tpu.memory_space<hbm>>
      tpu.wait_dma2 semaphore(%run_scoped3A : memref<!tpu.dma_semaphore, #tpu.memory_space<semaphore_mem>>) src(%arg12 : memref<128x32xf32, #tpu.memory_space<vmem>>) dst(%dma_wait3A_55 : memref<128x32xf32, #tpu.memory_space<hbm>>)
      tpu.yield
    }) : () -> ()
    %add3A_38 = arith.constant 128 : i32
    %add3A_39 = arith.addi %mul3A_8, %add3A_38 : i32
    "tpu.region"() ({
      %run_scoped3A = tpu.sem_alloc : memref<!tpu.dma_semaphore, #tpu.memory_space<semaphore_mem>>
      %dma_start3A = arith.constant 0 : i32
      %dma_start3A_46 = tpu.memref_slice %arg8[%add3A_39, %dma_start3A] : memref<10112x128xf32, #tpu.memory_space<vmem_shared>> -> memref<128x128xf32, #tpu.memory_space<vmem_shared>>
      %dma_start3A_47 = arith.constant 0 : i32
      %dma_start3A_48 = tpu.memref_slice %arg8[%add3A_39, %dma_start3A_47] : memref<10112x128xf32, #tpu.memory_space<vmem_shared>> -> memref<128x128xf32, #tpu.memory_space<vmem_shared>>
      tpu.enqueue_dma source(%dma_start3A_48 : memref<128x128xf32, #tpu.memory_space<vmem_shared>>) target(%arg13 : memref<128x128xf32, #tpu.memory_space<vmem>>) target_semaphore(%run_scoped3A : memref<!tpu.dma_semaphore, #tpu.memory_space<semaphore_mem>>)
      %dma_wait3A = arith.constant 0 : i32
      %dma_wait3A_49 = tpu.memref_slice %arg8[%add3A_39, %dma_wait3A] : memref<10112x128xf32, #tpu.memory_space<vmem_shared>> -> memref<128x128xf32, #tpu.memory_space<vmem_shared>>
      %dma_wait3A_50 = arith.constant 0 : i32
      %dma_wait3A_51 = tpu.memref_slice %arg8[%add3A_39, %dma_wait3A_50] : memref<10112x128xf32, #tpu.memory_space<vmem_shared>> -> memref<128x128xf32, #tpu.memory_space<vmem_shared>>
      tpu.wait_dma2 semaphore(%run_scoped3A : memref<!tpu.dma_semaphore, #tpu.memory_space<semaphore_mem>>) src(%dma_wait3A_51 : memref<128x128xf32, #tpu.memory_space<vmem_shared>>) dst(%arg13 : memref<128x128xf32, #tpu.memory_space<vmem>>)
      tpu.yield
    }) : () -> ()
    "tpu.region"() ({
      %run_scoped3A = tpu.sem_alloc : memref<!tpu.dma_semaphore, #tpu.memory_space<semaphore_mem>>
      %dma_start3A = arith.constant 0 : i32
      %dma_start3A_46 = tpu.memref_slice %arg6[%arg0, %add3A_39, %dma_start3A] : memref<2x10112x128xf32, #tpu.memory_space<hbm>> -> memref<1x128x128xf32, #tpu.memory_space<hbm>>
      %dma_start3A_47 = tpu.memref_squeeze %dma_start3A_46 : memref<1x128x128xf32, #tpu.memory_space<hbm>> -> memref<128x128xf32, #tpu.memory_space<hbm>>
      %dma_start3A_48 = arith.constant 0 : i32
      %dma_start3A_49 = tpu.memref_slice %arg6[%arg0, %add3A_39, %dma_start3A_48] : memref<2x10112x128xf32, #tpu.memory_space<hbm>> -> memref<1x128x128xf32, #tpu.memory_space<hbm>>
      %dma_start3A_50 = tpu.memref_squeeze %dma_start3A_49 : memref<1x128x128xf32, #tpu.memory_space<hbm>> -> memref<128x128xf32, #tpu.memory_space<hbm>>
      tpu.enqueue_dma source(%arg13 : memref<128x128xf32, #tpu.memory_space<vmem>>) target(%dma_start3A_50 : memref<128x128xf32, #tpu.memory_space<hbm>>) target_semaphore(%run_scoped3A : memref<!tpu.dma_semaphore, #tpu.memory_space<semaphore_mem>>)
      %dma_wait3A = arith.constant 0 : i32
      %dma_wait3A_51 = tpu.memref_slice %arg6[%arg0, %add3A_39, %dma_wait3A] : memref<2x10112x128xf32, #tpu.memory_space<hbm>> -> memref<1x128x128xf32, #tpu.memory_space<hbm>>
      %dma_wait3A_52 = tpu.memref_squeeze %dma_wait3A_51 : memref<1x128x128xf32, #tpu.memory_space<hbm>> -> memref<128x128xf32, #tpu.memory_space<hbm>>
      %dma_wait3A_53 = arith.constant 0 : i32
      %dma_wait3A_54 = tpu.memref_slice %arg6[%arg0, %add3A_39, %dma_wait3A_53] : memref<2x10112x128xf32, #tpu.memory_space<hbm>> -> memref<1x128x128xf32, #tpu.memory_space<hbm>>
      %dma_wait3A_55 = tpu.memref_squeeze %dma_wait3A_54 : memref<1x128x128xf32, #tpu.memory_space<hbm>> -> memref<128x128xf32, #tpu.memory_space<hbm>>
      tpu.wait_dma2 semaphore(%run_scoped3A : memref<!tpu.dma_semaphore, #tpu.memory_space<semaphore_mem>>) src(%arg13 : memref<128x128xf32, #tpu.memory_space<vmem>>) dst(%dma_wait3A_55 : memref<128x128xf32, #tpu.memory_space<hbm>>)
      tpu.yield
    }) : () -> ()
    "tpu.region"() ({
      %run_scoped3A = tpu.sem_alloc : memref<!tpu.dma_semaphore, #tpu.memory_space<semaphore_mem>>
      %dma_start3A = arith.constant 0 : i32
      %dma_start3A_46 = tpu.memref_slice %arg9[%add3A_39, %dma_start3A] : memref<10112x32xf32, #tpu.memory_space<vmem_shared>> -> memref<128x32xf32, #tpu.memory_space<vmem_shared>>
      %dma_start3A_47 = arith.constant 0 : i32
      %dma_start3A_48 = tpu.memref_slice %arg9[%add3A_39, %dma_start3A_47] : memref<10112x32xf32, #tpu.memory_space<vmem_shared>> -> memref<128x32xf32, #tpu.memory_space<vmem_shared>>
      tpu.enqueue_dma source(%dma_start3A_48 : memref<128x32xf32, #tpu.memory_space<vmem_shared>>) target(%arg12 : memref<128x32xf32, #tpu.memory_space<vmem>>) target_semaphore(%run_scoped3A : memref<!tpu.dma_semaphore, #tpu.memory_space<semaphore_mem>>)
      %dma_wait3A = arith.constant 0 : i32
      %dma_wait3A_49 = tpu.memref_slice %arg9[%add3A_39, %dma_wait3A] : memref<10112x32xf32, #tpu.memory_space<vmem_shared>> -> memref<128x32xf32, #tpu.memory_space<vmem_shared>>
      %dma_wait3A_50 = arith.constant 0 : i32
      %dma_wait3A_51 = tpu.memref_slice %arg9[%add3A_39, %dma_wait3A_50] : memref<10112x32xf32, #tpu.memory_space<vmem_shared>> -> memref<128x32xf32, #tpu.memory_space<vmem_shared>>
      tpu.wait_dma2 semaphore(%run_scoped3A : memref<!tpu.dma_semaphore, #tpu.memory_space<semaphore_mem>>) src(%dma_wait3A_51 : memref<128x32xf32, #tpu.memory_space<vmem_shared>>) dst(%arg12 : memref<128x32xf32, #tpu.memory_space<vmem>>)
      tpu.yield
    }) : () -> ()
    "tpu.region"() ({
      %run_scoped3A = tpu.sem_alloc : memref<!tpu.dma_semaphore, #tpu.memory_space<semaphore_mem>>
      %dma_start3A = arith.constant 0 : i32
      %dma_start3A_46 = tpu.memref_slice %arg7[%arg0, %add3A_39, %dma_start3A] : memref<2x10112x32xf32, #tpu.memory_space<hbm>> -> memref<1x128x32xf32, #tpu.memory_space<hbm>>
      %dma_start3A_47 = tpu.memref_squeeze %dma_start3A_46 : memref<1x128x32xf32, #tpu.memory_space<hbm>> -> memref<128x32xf32, #tpu.memory_space<hbm>>
      %dma_start3A_48 = arith.constant 0 : i32
      %dma_start3A_49 = tpu.memref_slice %arg7[%arg0, %add3A_39, %dma_start3A_48] : memref<2x10112x32xf32, #tpu.memory_space<hbm>> -> memref<1x128x32xf32, #tpu.memory_space<hbm>>
      %dma_start3A_50 = tpu.memref_squeeze %dma_start3A_49 : memref<1x128x32xf32, #tpu.memory_space<hbm>> -> memref<128x32xf32, #tpu.memory_space<hbm>>
      tpu.enqueue_dma source(%arg12 : memref<128x32xf32, #tpu.memory_space<vmem>>) target(%dma_start3A_50 : memref<128x32xf32, #tpu.memory_space<hbm>>) target_semaphore(%run_scoped3A : memref<!tpu.dma_semaphore, #tpu.memory_space<semaphore_mem>>)
      %dma_wait3A = arith.constant 0 : i32
      %dma_wait3A_51 = tpu.memref_slice %arg7[%arg0, %add3A_39, %dma_wait3A] : memref<2x10112x32xf32, #tpu.memory_space<hbm>> -> memref<1x128x32xf32, #tpu.memory_space<hbm>>
      %dma_wait3A_52 = tpu.memref_squeeze %dma_wait3A_51 : memref<1x128x32xf32, #tpu.memory_space<hbm>> -> memref<128x32xf32, #tpu.memory_space<hbm>>
      %dma_wait3A_53 = arith.constant 0 : i32
      %dma_wait3A_54 = tpu.memref_slice %arg7[%arg0, %add3A_39, %dma_wait3A_53] : memref<2x10112x32xf32, #tpu.memory_space<hbm>> -> memref<1x128x32xf32, #tpu.memory_space<hbm>>
      %dma_wait3A_55 = tpu.memref_squeeze %dma_wait3A_54 : memref<1x128x32xf32, #tpu.memory_space<hbm>> -> memref<128x32xf32, #tpu.memory_space<hbm>>
      tpu.wait_dma2 semaphore(%run_scoped3A : memref<!tpu.dma_semaphore, #tpu.memory_space<semaphore_mem>>) src(%arg12 : memref<128x32xf32, #tpu.memory_space<vmem>>) dst(%dma_wait3A_55 : memref<128x32xf32, #tpu.memory_space<hbm>>)
      tpu.yield
    }) : () -> ()
    %add3A_40 = arith.constant 256 : i32
    %add3A_41 = arith.addi %mul3A_8, %add3A_40 : i32
    "tpu.region"() ({
      %run_scoped3A = tpu.sem_alloc : memref<!tpu.dma_semaphore, #tpu.memory_space<semaphore_mem>>
      %dma_start3A = arith.constant 0 : i32
      %dma_start3A_46 = tpu.memref_slice %arg8[%add3A_41, %dma_start3A] : memref<10112x128xf32, #tpu.memory_space<vmem_shared>> -> memref<128x128xf32, #tpu.memory_space<vmem_shared>>
      %dma_start3A_47 = arith.constant 0 : i32
      %dma_start3A_48 = tpu.memref_slice %arg8[%add3A_41, %dma_start3A_47] : memref<10112x128xf32, #tpu.memory_space<vmem_shared>> -> memref<128x128xf32, #tpu.memory_space<vmem_shared>>
      tpu.enqueue_dma source(%dma_start3A_48 : memref<128x128xf32, #tpu.memory_space<vmem_shared>>) target(%arg13 : memref<128x128xf32, #tpu.memory_space<vmem>>) target_semaphore(%run_scoped3A : memref<!tpu.dma_semaphore, #tpu.memory_space<semaphore_mem>>)
      %dma_wait3A = arith.constant 0 : i32
      %dma_wait3A_49 = tpu.memref_slice %arg8[%add3A_41, %dma_wait3A] : memref<10112x128xf32, #tpu.memory_space<vmem_shared>> -> memref<128x128xf32, #tpu.memory_space<vmem_shared>>
      %dma_wait3A_50 = arith.constant 0 : i32
      %dma_wait3A_51 = tpu.memref_slice %arg8[%add3A_41, %dma_wait3A_50] : memref<10112x128xf32, #tpu.memory_space<vmem_shared>> -> memref<128x128xf32, #tpu.memory_space<vmem_shared>>
      tpu.wait_dma2 semaphore(%run_scoped3A : memref<!tpu.dma_semaphore, #tpu.memory_space<semaphore_mem>>) src(%dma_wait3A_51 : memref<128x128xf32, #tpu.memory_space<vmem_shared>>) dst(%arg13 : memref<128x128xf32, #tpu.memory_space<vmem>>)
      tpu.yield
    }) : () -> ()
    "tpu.region"() ({
      %run_scoped3A = tpu.sem_alloc : memref<!tpu.dma_semaphore, #tpu.memory_space<semaphore_mem>>
      %dma_start3A = arith.constant 0 : i32
      %dma_start3A_46 = tpu.memref_slice %arg6[%arg0, %add3A_41, %dma_start3A] : memref<2x10112x128xf32, #tpu.memory_space<hbm>> -> memref<1x128x128xf32, #tpu.memory_space<hbm>>
      %dma_start3A_47 = tpu.memref_squeeze %dma_start3A_46 : memref<1x128x128xf32, #tpu.memory_space<hbm>> -> memref<128x128xf32, #tpu.memory_space<hbm>>
      %dma_start3A_48 = arith.constant 0 : i32
      %dma_start3A_49 = tpu.memref_slice %arg6[%arg0, %add3A_41, %dma_start3A_48] : memref<2x10112x128xf32, #tpu.memory_space<hbm>> -> memref<1x128x128xf32, #tpu.memory_space<hbm>>
      %dma_start3A_50 = tpu.memref_squeeze %dma_start3A_49 : memref<1x128x128xf32, #tpu.memory_space<hbm>> -> memref<128x128xf32, #tpu.memory_space<hbm>>
      tpu.enqueue_dma source(%arg13 : memref<128x128xf32, #tpu.memory_space<vmem>>) target(%dma_start3A_50 : memref<128x128xf32, #tpu.memory_space<hbm>>) target_semaphore(%run_scoped3A : memref<!tpu.dma_semaphore, #tpu.memory_space<semaphore_mem>>)
      %dma_wait3A = arith.constant 0 : i32
      %dma_wait3A_51 = tpu.memref_slice %arg6[%arg0, %add3A_41, %dma_wait3A] : memref<2x10112x128xf32, #tpu.memory_space<hbm>> -> memref<1x128x128xf32, #tpu.memory_space<hbm>>
      %dma_wait3A_52 = tpu.memref_squeeze %dma_wait3A_51 : memref<1x128x128xf32, #tpu.memory_space<hbm>> -> memref<128x128xf32, #tpu.memory_space<hbm>>
      %dma_wait3A_53 = arith.constant 0 : i32
      %dma_wait3A_54 = tpu.memref_slice %arg6[%arg0, %add3A_41, %dma_wait3A_53] : memref<2x10112x128xf32, #tpu.memory_space<hbm>> -> memref<1x128x128xf32, #tpu.memory_space<hbm>>
      %dma_wait3A_55 = tpu.memref_squeeze %dma_wait3A_54 : memref<1x128x128xf32, #tpu.memory_space<hbm>> -> memref<128x128xf32, #tpu.memory_space<hbm>>
      tpu.wait_dma2 semaphore(%run_scoped3A : memref<!tpu.dma_semaphore, #tpu.memory_space<semaphore_mem>>) src(%arg13 : memref<128x128xf32, #tpu.memory_space<vmem>>) dst(%dma_wait3A_55 : memref<128x128xf32, #tpu.memory_space<hbm>>)
      tpu.yield
    }) : () -> ()
    "tpu.region"() ({
      %run_scoped3A = tpu.sem_alloc : memref<!tpu.dma_semaphore, #tpu.memory_space<semaphore_mem>>
      %dma_start3A = arith.constant 0 : i32
      %dma_start3A_46 = tpu.memref_slice %arg9[%add3A_41, %dma_start3A] : memref<10112x32xf32, #tpu.memory_space<vmem_shared>> -> memref<128x32xf32, #tpu.memory_space<vmem_shared>>
      %dma_start3A_47 = arith.constant 0 : i32
      %dma_start3A_48 = tpu.memref_slice %arg9[%add3A_41, %dma_start3A_47] : memref<10112x32xf32, #tpu.memory_space<vmem_shared>> -> memref<128x32xf32, #tpu.memory_space<vmem_shared>>
      tpu.enqueue_dma source(%dma_start3A_48 : memref<128x32xf32, #tpu.memory_space<vmem_shared>>) target(%arg12 : memref<128x32xf32, #tpu.memory_space<vmem>>) target_semaphore(%run_scoped3A : memref<!tpu.dma_semaphore, #tpu.memory_space<semaphore_mem>>)
      %dma_wait3A = arith.constant 0 : i32
      %dma_wait3A_49 = tpu.memref_slice %arg9[%add3A_41, %dma_wait3A] : memref<10112x32xf32, #tpu.memory_space<vmem_shared>> -> memref<128x32xf32, #tpu.memory_space<vmem_shared>>
      %dma_wait3A_50 = arith.constant 0 : i32
      %dma_wait3A_51 = tpu.memref_slice %arg9[%add3A_41, %dma_wait3A_50] : memref<10112x32xf32, #tpu.memory_space<vmem_shared>> -> memref<128x32xf32, #tpu.memory_space<vmem_shared>>
      tpu.wait_dma2 semaphore(%run_scoped3A : memref<!tpu.dma_semaphore, #tpu.memory_space<semaphore_mem>>) src(%dma_wait3A_51 : memref<128x32xf32, #tpu.memory_space<vmem_shared>>) dst(%arg12 : memref<128x32xf32, #tpu.memory_space<vmem>>)
      tpu.yield
    }) : () -> ()
    "tpu.region"() ({
      %run_scoped3A = tpu.sem_alloc : memref<!tpu.dma_semaphore, #tpu.memory_space<semaphore_mem>>
      %dma_start3A = arith.constant 0 : i32
      %dma_start3A_46 = tpu.memref_slice %arg7[%arg0, %add3A_41, %dma_start3A] : memref<2x10112x32xf32, #tpu.memory_space<hbm>> -> memref<1x128x32xf32, #tpu.memory_space<hbm>>
      %dma_start3A_47 = tpu.memref_squeeze %dma_start3A_46 : memref<1x128x32xf32, #tpu.memory_space<hbm>> -> memref<128x32xf32, #tpu.memory_space<hbm>>
      %dma_start3A_48 = arith.constant 0 : i32
      %dma_start3A_49 = tpu.memref_slice %arg7[%arg0, %add3A_41, %dma_start3A_48] : memref<2x10112x32xf32, #tpu.memory_space<hbm>> -> memref<1x128x32xf32, #tpu.memory_space<hbm>>
      %dma_start3A_50 = tpu.memref_squeeze %dma_start3A_49 : memref<1x128x32xf32, #tpu.memory_space<hbm>> -> memref<128x32xf32, #tpu.memory_space<hbm>>
      tpu.enqueue_dma source(%arg12 : memref<128x32xf32, #tpu.memory_space<vmem>>) target(%dma_start3A_50 : memref<128x32xf32, #tpu.memory_space<hbm>>) target_semaphore(%run_scoped3A : memref<!tpu.dma_semaphore, #tpu.memory_space<semaphore_mem>>)
      %dma_wait3A = arith.constant 0 : i32
      %dma_wait3A_51 = tpu.memref_slice %arg7[%arg0, %add3A_41, %dma_wait3A] : memref<2x10112x32xf32, #tpu.memory_space<hbm>> -> memref<1x128x32xf32, #tpu.memory_space<hbm>>
      %dma_wait3A_52 = tpu.memref_squeeze %dma_wait3A_51 : memref<1x128x32xf32, #tpu.memory_space<hbm>> -> memref<128x32xf32, #tpu.memory_space<hbm>>
      %dma_wait3A_53 = arith.constant 0 : i32
      %dma_wait3A_54 = tpu.memref_slice %arg7[%arg0, %add3A_41, %dma_wait3A_53] : memref<2x10112x32xf32, #tpu.memory_space<hbm>> -> memref<1x128x32xf32, #tpu.memory_space<hbm>>
      %dma_wait3A_55 = tpu.memref_squeeze %dma_wait3A_54 : memref<1x128x32xf32, #tpu.memory_space<hbm>> -> memref<128x32xf32, #tpu.memory_space<hbm>>
      tpu.wait_dma2 semaphore(%run_scoped3A : memref<!tpu.dma_semaphore, #tpu.memory_space<semaphore_mem>>) src(%arg12 : memref<128x32xf32, #tpu.memory_space<vmem>>) dst(%dma_wait3A_55 : memref<128x32xf32, #tpu.memory_space<hbm>>)
      tpu.yield
    }) : () -> ()
    %add3A_42 = arith.constant 384 : i32
    %add3A_43 = arith.addi %mul3A_8, %add3A_42 : i32
    "tpu.region"() ({
      %run_scoped3A = tpu.sem_alloc : memref<!tpu.dma_semaphore, #tpu.memory_space<semaphore_mem>>
      %dma_start3A = arith.constant 0 : i32
      %dma_start3A_46 = tpu.memref_slice %arg8[%add3A_43, %dma_start3A] : memref<10112x128xf32, #tpu.memory_space<vmem_shared>> -> memref<128x128xf32, #tpu.memory_space<vmem_shared>>
      %dma_start3A_47 = arith.constant 0 : i32
      %dma_start3A_48 = tpu.memref_slice %arg8[%add3A_43, %dma_start3A_47] : memref<10112x128xf32, #tpu.memory_space<vmem_shared>> -> memref<128x128xf32, #tpu.memory_space<vmem_shared>>
      tpu.enqueue_dma source(%dma_start3A_48 : memref<128x128xf32, #tpu.memory_space<vmem_shared>>) target(%arg13 : memref<128x128xf32, #tpu.memory_space<vmem>>) target_semaphore(%run_scoped3A : memref<!tpu.dma_semaphore, #tpu.memory_space<semaphore_mem>>)
      %dma_wait3A = arith.constant 0 : i32
      %dma_wait3A_49 = tpu.memref_slice %arg8[%add3A_43, %dma_wait3A] : memref<10112x128xf32, #tpu.memory_space<vmem_shared>> -> memref<128x128xf32, #tpu.memory_space<vmem_shared>>
      %dma_wait3A_50 = arith.constant 0 : i32
      %dma_wait3A_51 = tpu.memref_slice %arg8[%add3A_43, %dma_wait3A_50] : memref<10112x128xf32, #tpu.memory_space<vmem_shared>> -> memref<128x128xf32, #tpu.memory_space<vmem_shared>>
      tpu.wait_dma2 semaphore(%run_scoped3A : memref<!tpu.dma_semaphore, #tpu.memory_space<semaphore_mem>>) src(%dma_wait3A_51 : memref<128x128xf32, #tpu.memory_space<vmem_shared>>) dst(%arg13 : memref<128x128xf32, #tpu.memory_space<vmem>>)
      tpu.yield
    }) : () -> ()
    "tpu.region"() ({
      %run_scoped3A = tpu.sem_alloc : memref<!tpu.dma_semaphore, #tpu.memory_space<semaphore_mem>>
      %dma_start3A = arith.constant 0 : i32
      %dma_start3A_46 = tpu.memref_slice %arg6[%arg0, %add3A_43, %dma_start3A] : memref<2x10112x128xf32, #tpu.memory_space<hbm>> -> memref<1x128x128xf32, #tpu.memory_space<hbm>>
      %dma_start3A_47 = tpu.memref_squeeze %dma_start3A_46 : memref<1x128x128xf32, #tpu.memory_space<hbm>> -> memref<128x128xf32, #tpu.memory_space<hbm>>
      %dma_start3A_48 = arith.constant 0 : i32
      %dma_start3A_49 = tpu.memref_slice %arg6[%arg0, %add3A_43, %dma_start3A_48] : memref<2x10112x128xf32, #tpu.memory_space<hbm>> -> memref<1x128x128xf32, #tpu.memory_space<hbm>>
      %dma_start3A_50 = tpu.memref_squeeze %dma_start3A_49 : memref<1x128x128xf32, #tpu.memory_space<hbm>> -> memref<128x128xf32, #tpu.memory_space<hbm>>
      tpu.enqueue_dma source(%arg13 : memref<128x128xf32, #tpu.memory_space<vmem>>) target(%dma_start3A_50 : memref<128x128xf32, #tpu.memory_space<hbm>>) target_semaphore(%run_scoped3A : memref<!tpu.dma_semaphore, #tpu.memory_space<semaphore_mem>>)
      %dma_wait3A = arith.constant 0 : i32
      %dma_wait3A_51 = tpu.memref_slice %arg6[%arg0, %add3A_43, %dma_wait3A] : memref<2x10112x128xf32, #tpu.memory_space<hbm>> -> memref<1x128x128xf32, #tpu.memory_space<hbm>>
      %dma_wait3A_52 = tpu.memref_squeeze %dma_wait3A_51 : memref<1x128x128xf32, #tpu.memory_space<hbm>> -> memref<128x128xf32, #tpu.memory_space<hbm>>
      %dma_wait3A_53 = arith.constant 0 : i32
      %dma_wait3A_54 = tpu.memref_slice %arg6[%arg0, %add3A_43, %dma_wait3A_53] : memref<2x10112x128xf32, #tpu.memory_space<hbm>> -> memref<1x128x128xf32, #tpu.memory_space<hbm>>
      %dma_wait3A_55 = tpu.memref_squeeze %dma_wait3A_54 : memref<1x128x128xf32, #tpu.memory_space<hbm>> -> memref<128x128xf32, #tpu.memory_space<hbm>>
      tpu.wait_dma2 semaphore(%run_scoped3A : memref<!tpu.dma_semaphore, #tpu.memory_space<semaphore_mem>>) src(%arg13 : memref<128x128xf32, #tpu.memory_space<vmem>>) dst(%dma_wait3A_55 : memref<128x128xf32, #tpu.memory_space<hbm>>)
      tpu.yield
    }) : () -> ()
    "tpu.region"() ({
      %run_scoped3A = tpu.sem_alloc : memref<!tpu.dma_semaphore, #tpu.memory_space<semaphore_mem>>
      %dma_start3A = arith.constant 0 : i32
      %dma_start3A_46 = tpu.memref_slice %arg9[%add3A_43, %dma_start3A] : memref<10112x32xf32, #tpu.memory_space<vmem_shared>> -> memref<128x32xf32, #tpu.memory_space<vmem_shared>>
      %dma_start3A_47 = arith.constant 0 : i32
      %dma_start3A_48 = tpu.memref_slice %arg9[%add3A_43, %dma_start3A_47] : memref<10112x32xf32, #tpu.memory_space<vmem_shared>> -> memref<128x32xf32, #tpu.memory_space<vmem_shared>>
      tpu.enqueue_dma source(%dma_start3A_48 : memref<128x32xf32, #tpu.memory_space<vmem_shared>>) target(%arg12 : memref<128x32xf32, #tpu.memory_space<vmem>>) target_semaphore(%run_scoped3A : memref<!tpu.dma_semaphore, #tpu.memory_space<semaphore_mem>>)
      %dma_wait3A = arith.constant 0 : i32
      %dma_wait3A_49 = tpu.memref_slice %arg9[%add3A_43, %dma_wait3A] : memref<10112x32xf32, #tpu.memory_space<vmem_shared>> -> memref<128x32xf32, #tpu.memory_space<vmem_shared>>
      %dma_wait3A_50 = arith.constant 0 : i32
      %dma_wait3A_51 = tpu.memref_slice %arg9[%add3A_43, %dma_wait3A_50] : memref<10112x32xf32, #tpu.memory_space<vmem_shared>> -> memref<128x32xf32, #tpu.memory_space<vmem_shared>>
      tpu.wait_dma2 semaphore(%run_scoped3A : memref<!tpu.dma_semaphore, #tpu.memory_space<semaphore_mem>>) src(%dma_wait3A_51 : memref<128x32xf32, #tpu.memory_space<vmem_shared>>) dst(%arg12 : memref<128x32xf32, #tpu.memory_space<vmem>>)
      tpu.yield
    }) : () -> ()
    "tpu.region"() ({
      %run_scoped3A = tpu.sem_alloc : memref<!tpu.dma_semaphore, #tpu.memory_space<semaphore_mem>>
      %dma_start3A = arith.constant 0 : i32
      %dma_start3A_46 = tpu.memref_slice %arg7[%arg0, %add3A_43, %dma_start3A] : memref<2x10112x32xf32, #tpu.memory_space<hbm>> -> memref<1x128x32xf32, #tpu.memory_space<hbm>>
      %dma_start3A_47 = tpu.memref_squeeze %dma_start3A_46 : memref<1x128x32xf32, #tpu.memory_space<hbm>> -> memref<128x32xf32, #tpu.memory_space<hbm>>
      %dma_start3A_48 = arith.constant 0 : i32
      %dma_start3A_49 = tpu.memref_slice %arg7[%arg0, %add3A_43, %dma_start3A_48] : memref<2x10112x32xf32, #tpu.memory_space<hbm>> -> memref<1x128x32xf32, #tpu.memory_space<hbm>>
      %dma_start3A_50 = tpu.memref_squeeze %dma_start3A_49 : memref<1x128x32xf32, #tpu.memory_space<hbm>> -> memref<128x32xf32, #tpu.memory_space<hbm>>
      tpu.enqueue_dma source(%arg12 : memref<128x32xf32, #tpu.memory_space<vmem>>) target(%dma_start3A_50 : memref<128x32xf32, #tpu.memory_space<hbm>>) target_semaphore(%run_scoped3A : memref<!tpu.dma_semaphore, #tpu.memory_space<semaphore_mem>>)
      %dma_wait3A = arith.constant 0 : i32
      %dma_wait3A_51 = tpu.memref_slice %arg7[%arg0, %add3A_43, %dma_wait3A] : memref<2x10112x32xf32, #tpu.memory_space<hbm>> -> memref<1x128x32xf32, #tpu.memory_space<hbm>>
      %dma_wait3A_52 = tpu.memref_squeeze %dma_wait3A_51 : memref<1x128x32xf32, #tpu.memory_space<hbm>> -> memref<128x32xf32, #tpu.memory_space<hbm>>
      %dma_wait3A_53 = arith.constant 0 : i32
      %dma_wait3A_54 = tpu.memref_slice %arg7[%arg0, %add3A_43, %dma_wait3A_53] : memref<2x10112x32xf32, #tpu.memory_space<hbm>> -> memref<1x128x32xf32, #tpu.memory_space<hbm>>
      %dma_wait3A_55 = tpu.memref_squeeze %dma_wait3A_54 : memref<1x128x32xf32, #tpu.memory_space<hbm>> -> memref<128x32xf32, #tpu.memory_space<hbm>>
      tpu.wait_dma2 semaphore(%run_scoped3A : memref<!tpu.dma_semaphore, #tpu.memory_space<semaphore_mem>>) src(%arg12 : memref<128x32xf32, #tpu.memory_space<vmem>>) dst(%dma_wait3A_55 : memref<128x32xf32, #tpu.memory_space<hbm>>)
      tpu.yield
    }) : () -> ()
    %add3A_44 = arith.constant 504 : i32
    %add3A_45 = arith.addi %mul3A_8, %add3A_44 : i32
    "tpu.region"() ({
      %run_scoped3A = tpu.sem_alloc : memref<!tpu.dma_semaphore, #tpu.memory_space<semaphore_mem>>
      %dma_start3A = arith.constant 0 : i32
      %dma_start3A_46 = tpu.memref_slice %arg8[%add3A_45, %dma_start3A] : memref<10112x128xf32, #tpu.memory_space<vmem_shared>> -> memref<128x128xf32, #tpu.memory_space<vmem_shared>>
      %dma_start3A_47 = arith.constant 0 : i32
      %dma_start3A_48 = tpu.memref_slice %arg8[%add3A_45, %dma_start3A_47] : memref<10112x128xf32, #tpu.memory_space<vmem_shared>> -> memref<128x128xf32, #tpu.memory_space<vmem_shared>>
      tpu.enqueue_dma source(%dma_start3A_48 : memref<128x128xf32, #tpu.memory_space<vmem_shared>>) target(%arg13 : memref<128x128xf32, #tpu.memory_space<vmem>>) target_semaphore(%run_scoped3A : memref<!tpu.dma_semaphore, #tpu.memory_space<semaphore_mem>>)
      %dma_wait3A = arith.constant 0 : i32
      %dma_wait3A_49 = tpu.memref_slice %arg8[%add3A_45, %dma_wait3A] : memref<10112x128xf32, #tpu.memory_space<vmem_shared>> -> memref<128x128xf32, #tpu.memory_space<vmem_shared>>
      %dma_wait3A_50 = arith.constant 0 : i32
      %dma_wait3A_51 = tpu.memref_slice %arg8[%add3A_45, %dma_wait3A_50] : memref<10112x128xf32, #tpu.memory_space<vmem_shared>> -> memref<128x128xf32, #tpu.memory_space<vmem_shared>>
      tpu.wait_dma2 semaphore(%run_scoped3A : memref<!tpu.dma_semaphore, #tpu.memory_space<semaphore_mem>>) src(%dma_wait3A_51 : memref<128x128xf32, #tpu.memory_space<vmem_shared>>) dst(%arg13 : memref<128x128xf32, #tpu.memory_space<vmem>>)
      tpu.yield
    }) : () -> ()
    "tpu.region"() ({
      %run_scoped3A = tpu.sem_alloc : memref<!tpu.dma_semaphore, #tpu.memory_space<semaphore_mem>>
      %dma_start3A = arith.constant 0 : i32
      %dma_start3A_46 = tpu.memref_slice %arg6[%arg0, %add3A_45, %dma_start3A] : memref<2x10112x128xf32, #tpu.memory_space<hbm>> -> memref<1x128x128xf32, #tpu.memory_space<hbm>>
      %dma_start3A_47 = tpu.memref_squeeze %dma_start3A_46 : memref<1x128x128xf32, #tpu.memory_space<hbm>> -> memref<128x128xf32, #tpu.memory_space<hbm>>
      %dma_start3A_48 = arith.constant 0 : i32
      %dma_start3A_49 = tpu.memref_slice %arg6[%arg0, %add3A_45, %dma_start3A_48] : memref<2x10112x128xf32, #tpu.memory_space<hbm>> -> memref<1x128x128xf32, #tpu.memory_space<hbm>>
      %dma_start3A_50 = tpu.memref_squeeze %dma_start3A_49 : memref<1x128x128xf32, #tpu.memory_space<hbm>> -> memref<128x128xf32, #tpu.memory_space<hbm>>
      tpu.enqueue_dma source(%arg13 : memref<128x128xf32, #tpu.memory_space<vmem>>) target(%dma_start3A_50 : memref<128x128xf32, #tpu.memory_space<hbm>>) target_semaphore(%run_scoped3A : memref<!tpu.dma_semaphore, #tpu.memory_space<semaphore_mem>>)
      %dma_wait3A = arith.constant 0 : i32
      %dma_wait3A_51 = tpu.memref_slice %arg6[%arg0, %add3A_45, %dma_wait3A] : memref<2x10112x128xf32, #tpu.memory_space<hbm>> -> memref<1x128x128xf32, #tpu.memory_space<hbm>>
      %dma_wait3A_52 = tpu.memref_squeeze %dma_wait3A_51 : memref<1x128x128xf32, #tpu.memory_space<hbm>> -> memref<128x128xf32, #tpu.memory_space<hbm>>
      %dma_wait3A_53 = arith.constant 0 : i32
      %dma_wait3A_54 = tpu.memref_slice %arg6[%arg0, %add3A_45, %dma_wait3A_53] : memref<2x10112x128xf32, #tpu.memory_space<hbm>> -> memref<1x128x128xf32, #tpu.memory_space<hbm>>
      %dma_wait3A_55 = tpu.memref_squeeze %dma_wait3A_54 : memref<1x128x128xf32, #tpu.memory_space<hbm>> -> memref<128x128xf32, #tpu.memory_space<hbm>>
      tpu.wait_dma2 semaphore(%run_scoped3A : memref<!tpu.dma_semaphore, #tpu.memory_space<semaphore_mem>>) src(%arg13 : memref<128x128xf32, #tpu.memory_space<vmem>>) dst(%dma_wait3A_55 : memref<128x128xf32, #tpu.memory_space<hbm>>)
      tpu.yield
    }) : () -> ()
    "tpu.region"() ({
      %run_scoped3A = tpu.sem_alloc : memref<!tpu.dma_semaphore, #tpu.memory_space<semaphore_mem>>
      %dma_start3A = arith.constant 0 : i32
      %dma_start3A_46 = tpu.memref_slice %arg9[%add3A_45, %dma_start3A] : memref<10112x32xf32, #tpu.memory_space<vmem_shared>> -> memref<128x32xf32, #tpu.memory_space<vmem_shared>>
      %dma_start3A_47 = arith.constant 0 : i32
      %dma_start3A_48 = tpu.memref_slice %arg9[%add3A_45, %dma_start3A_47] : memref<10112x32xf32, #tpu.memory_space<vmem_shared>> -> memref<128x32xf32, #tpu.memory_space<vmem_shared>>
      tpu.enqueue_dma source(%dma_start3A_48 : memref<128x32xf32, #tpu.memory_space<vmem_shared>>) target(%arg12 : memref<128x32xf32, #tpu.memory_space<vmem>>) target_semaphore(%run_scoped3A : memref<!tpu.dma_semaphore, #tpu.memory_space<semaphore_mem>>)
      %dma_wait3A = arith.constant 0 : i32
      %dma_wait3A_49 = tpu.memref_slice %arg9[%add3A_45, %dma_wait3A] : memref<10112x32xf32, #tpu.memory_space<vmem_shared>> -> memref<128x32xf32, #tpu.memory_space<vmem_shared>>
      %dma_wait3A_50 = arith.constant 0 : i32
      %dma_wait3A_51 = tpu.memref_slice %arg9[%add3A_45, %dma_wait3A_50] : memref<10112x32xf32, #tpu.memory_space<vmem_shared>> -> memref<128x32xf32, #tpu.memory_space<vmem_shared>>
      tpu.wait_dma2 semaphore(%run_scoped3A : memref<!tpu.dma_semaphore, #tpu.memory_space<semaphore_mem>>) src(%dma_wait3A_51 : memref<128x32xf32, #tpu.memory_space<vmem_shared>>) dst(%arg12 : memref<128x32xf32, #tpu.memory_space<vmem>>)
      tpu.yield
    }) : () -> ()
    "tpu.region"() ({
      %run_scoped3A = tpu.sem_alloc : memref<!tpu.dma_semaphore, #tpu.memory_space<semaphore_mem>>
      %dma_start3A = arith.constant 0 : i32
      %dma_start3A_46 = tpu.memref_slice %arg7[%arg0, %add3A_45, %dma_start3A] : memref<2x10112x32xf32, #tpu.memory_space<hbm>> -> memref<1x128x32xf32, #tpu.memory_space<hbm>>
      %dma_start3A_47 = tpu.memref_squeeze %dma_start3A_46 : memref<1x128x32xf32, #tpu.memory_space<hbm>> -> memref<128x32xf32, #tpu.memory_space<hbm>>
      %dma_start3A_48 = arith.constant 0 : i32
      %dma_start3A_49 = tpu.memref_slice %arg7[%arg0, %add3A_45, %dma_start3A_48] : memref<2x10112x32xf32, #tpu.memory_space<hbm>> -> memref<1x128x32xf32, #tpu.memory_space<hbm>>
      %dma_start3A_50 = tpu.memref_squeeze %dma_start3A_49 : memref<1x128x32xf32, #tpu.memory_space<hbm>> -> memref<128x32xf32, #tpu.memory_space<hbm>>
      tpu.enqueue_dma source(%arg12 : memref<128x32xf32, #tpu.memory_space<vmem>>) target(%dma_start3A_50 : memref<128x32xf32, #tpu.memory_space<hbm>>) target_semaphore(%run_scoped3A : memref<!tpu.dma_semaphore, #tpu.memory_space<semaphore_mem>>)
      %dma_wait3A = arith.constant 0 : i32
      %dma_wait3A_51 = tpu.memref_slice %arg7[%arg0, %add3A_45, %dma_wait3A] : memref<2x10112x32xf32, #tpu.memory_space<hbm>> -> memref<1x128x32xf32, #tpu.memory_space<hbm>>
      %dma_wait3A_52 = tpu.memref_squeeze %dma_wait3A_51 : memref<1x128x32xf32, #tpu.memory_space<hbm>> -> memref<128x32xf32, #tpu.memory_space<hbm>>
      %dma_wait3A_53 = arith.constant 0 : i32
      %dma_wait3A_54 = tpu.memref_slice %arg7[%arg0, %add3A_45, %dma_wait3A_53] : memref<2x10112x32xf32, #tpu.memory_space<hbm>> -> memref<1x128x32xf32, #tpu.memory_space<hbm>>
      %dma_wait3A_55 = tpu.memref_squeeze %dma_wait3A_54 : memref<1x128x32xf32, #tpu.memory_space<hbm>> -> memref<128x32xf32, #tpu.memory_space<hbm>>
      tpu.wait_dma2 semaphore(%run_scoped3A : memref<!tpu.dma_semaphore, #tpu.memory_space<semaphore_mem>>) src(%arg12 : memref<128x32xf32, #tpu.memory_space<vmem>>) dst(%dma_wait3A_55 : memref<128x32xf32, #tpu.memory_space<hbm>>)
      tpu.yield
    }) : () -> ()
    return
  }
}

module attributes {stable_mosaic.version = 14 : i64} {
  func.func @body(%arg0: i32, %arg1: memref<2x512x128xf32, #tpu.memory_space<vmem>>, %arg2: memref<2x512x32xf32, #tpu.memory_space<vmem>>, %arg3: memref<512x128xf32, #tpu.memory_space<vmem>>, %arg4: memref<16x128xf32, #tpu.memory_space<vmem>>, %arg5: memref<1x128xf32, #tpu.memory_space<vmem>>, %arg6: memref<128x128xf32, #tpu.memory_space<vmem>>, %arg7: memref<1x128xf32, #tpu.memory_space<vmem>>, %arg8: memref<128x128xf32, #tpu.memory_space<vmem>>, %arg9: memref<512x128xf32, #tpu.memory_space<vmem>>) attributes {dimension_semantics = [#tpu.dimension_semantics<arbitrary>], iteration_bounds = array<i64: 20>, scalar_prefetch = 0 : i64, scratch_operands = 0 : i64, tpu.core_type = #tpu.core_type<tc>, window_params = [{transform_indices = @transform_0, window_bounds = array<i64: 2, 512, 128>}, {transform_indices = @transform_1, window_bounds = array<i64: 2, 512, 32>}, {transform_indices = @transform_2, window_bounds = array<i64: 512, 128>}, {pipeline_mode = #tpu.pipeline_mode<synchronous>, transform_indices = @transform_3, window_bounds = array<i64: 16, 128>}, {pipeline_mode = #tpu.pipeline_mode<synchronous>, transform_indices = @transform_4, window_bounds = array<i64: 1, 128>}, {pipeline_mode = #tpu.pipeline_mode<synchronous>, transform_indices = @transform_5, window_bounds = array<i64: 128, 128>}, {pipeline_mode = #tpu.pipeline_mode<synchronous>, transform_indices = @transform_6, window_bounds = array<i64: 1, 128>}, {pipeline_mode = #tpu.pipeline_mode<synchronous>, transform_indices = @transform_7, window_bounds = array<i64: 128, 128>}, {transform_indices = @transform_8, window_bounds = array<i64: 512, 128>}]} {
    %get3A = arith.constant 0 : index
    %get3A_0 = arith.constant 0 : index
    %get3A_1 = arith.constant 0 : index
    %get3A_2 = vector.load %arg1[%get3A, %get3A_0, %get3A_1] : memref<2x512x128xf32, #tpu.memory_space<vmem>>, vector<1x512x128xf32>
    %get3A_3 = vector.shape_cast %get3A_2 : vector<1x512x128xf32> to vector<512x128xf32>
    %get3A_4 = arith.constant 1 : index
    %get3A_5 = arith.constant 0 : index
    %get3A_6 = arith.constant 0 : index
    %get3A_7 = vector.load %arg1[%get3A_4, %get3A_5, %get3A_6] : memref<2x512x128xf32, #tpu.memory_space<vmem>>, vector<1x512x128xf32>
    %get3A_8 = vector.shape_cast %get3A_7 : vector<1x512x128xf32> to vector<512x128xf32>
    %add3A = arith.addf %get3A_3, %get3A_8 : vector<512x128xf32>
    %get3A_9 = arith.constant 0 : index
    %get3A_10 = arith.constant 0 : index
    %get3A_11 = arith.constant 0 : index
    %get3A_12 = vector.load %arg2[%get3A_9, %get3A_10, %get3A_11] : memref<2x512x32xf32, #tpu.memory_space<vmem>>, vector<1x512x32xf32>
    %get3A_13 = vector.shape_cast %get3A_12 : vector<1x512x32xf32> to vector<512x32xf32>
    %get3A_14 = arith.constant 1 : index
    %get3A_15 = arith.constant 0 : index
    %get3A_16 = arith.constant 0 : index
    %get3A_17 = vector.load %arg2[%get3A_14, %get3A_15, %get3A_16] : memref<2x512x32xf32, #tpu.memory_space<vmem>>, vector<1x512x32xf32>
    %get3A_18 = vector.shape_cast %get3A_17 : vector<1x512x32xf32> to vector<512x32xf32>
    %add3A_19 = arith.addf %get3A_13, %get3A_18 : vector<512x32xf32>
    %slice3A = vector.extract_strided_slice %add3A_19 {offsets = [0, 0], sizes = [512, 16], strides = [1, 1]} : vector<512x32xf32> to vector<512x16xf32>
    %slice3A_20 = vector.extract_strided_slice %add3A_19 {offsets = [0, 16], sizes = [512, 1], strides = [1, 1]} : vector<512x32xf32> to vector<512x1xf32>
    %get3A_21 = arith.constant 0 : index
    %get3A_22 = arith.constant 0 : index
    %get3A_23 = vector.load %arg4[%get3A_21, %get3A_22] : memref<16x128xf32, #tpu.memory_space<vmem>>, vector<16x128xf32>
    %dot_general3A = arith.constant dense<0.000000e+00> : vector<512x128xf32>
    %dot_general3A_24 = tpu.matmul %slice3A, %get3A_23, %dot_general3A {dimension_numbers = #tpu.dot_dimension_numbers<[1], [0], [0], [1], [0, 0, 1, 1], [], []>, transpose_lhs_hint = false} : vector<512x16xf32>, vector<16x128xf32>, vector<512x128xf32> -> vector<512x128xf32>
    %add3A_25 = arith.addf %add3A, %dot_general3A_24 : vector<512x128xf32>
    %get3A_26 = arith.constant 0 : index
    %get3A_27 = arith.constant 0 : index
    %get3A_28 = vector.load %arg5[%get3A_26, %get3A_27] : memref<1x128xf32, #tpu.memory_space<vmem>>, vector<1x128xf32>
    %mul3A = vector.broadcast %slice3A_20 : vector<512x1xf32> to vector<512x128xf32>
    %mul3A_29 = vector.broadcast %get3A_28 : vector<1x128xf32> to vector<512x128xf32>
    %mul3A_30 = arith.mulf %mul3A, %mul3A_29 : vector<512x128xf32>
    %add3A_31 = arith.addf %add3A_25, %mul3A_30 : vector<512x128xf32>
    %max3A = arith.constant 1.000000e+00 : f32
    %max3A_32 = vector.broadcast %max3A : f32 to vector<512x1xf32>
    %max3A_33 = arith.maximumf %slice3A_20, %max3A_32 : vector<512x1xf32>
    %div3A = vector.broadcast %max3A_33 : vector<512x1xf32> to vector<512x128xf32>
    %div3A_34 = arith.divf %add3A_31, %div3A : vector<512x128xf32>
    %get3A_35 = arith.constant 0 : index
    %get3A_36 = arith.constant 0 : index
    %get3A_37 = vector.load %arg6[%get3A_35, %get3A_36] : memref<128x128xf32, #tpu.memory_space<vmem>>, vector<128x128xf32>
    %dot_general3A_38 = arith.constant dense<0.000000e+00> : vector<512x128xf32>
    %dot_general3A_39 = tpu.matmul %div3A_34, %get3A_37, %dot_general3A_38 {dimension_numbers = #tpu.dot_dimension_numbers<[1], [0], [0], [1], [0, 0, 1, 1], [], []>, transpose_lhs_hint = false} : vector<512x128xf32>, vector<128x128xf32>, vector<512x128xf32> -> vector<512x128xf32>
    %get3A_40 = arith.constant 0 : index
    %get3A_41 = arith.constant 0 : index
    %get3A_42 = vector.load %arg7[%get3A_40, %get3A_41] : memref<1x128xf32, #tpu.memory_space<vmem>>, vector<1x128xf32>
    %add3A_43 = vector.broadcast %get3A_42 : vector<1x128xf32> to vector<512x128xf32>
    %add3A_44 = arith.addf %dot_general3A_39, %add3A_43 : vector<512x128xf32>
    %get3A_45 = arith.constant 0 : index
    %get3A_46 = arith.constant 0 : index
    %get3A_47 = vector.load %arg3[%get3A_45, %get3A_46] : memref<512x128xf32, #tpu.memory_space<vmem>>, vector<512x128xf32>
    %get3A_48 = arith.constant 0 : index
    %get3A_49 = arith.constant 0 : index
    %get3A_50 = vector.load %arg8[%get3A_48, %get3A_49] : memref<128x128xf32, #tpu.memory_space<vmem>>, vector<128x128xf32>
    %dot_general3A_51 = arith.constant dense<0.000000e+00> : vector<512x128xf32>
    %dot_general3A_52 = tpu.matmul %get3A_47, %get3A_50, %dot_general3A_51 {dimension_numbers = #tpu.dot_dimension_numbers<[1], [0], [0], [1], [0, 0, 1, 1], [], []>, transpose_lhs_hint = false} : vector<512x128xf32>, vector<128x128xf32>, vector<512x128xf32> -> vector<512x128xf32>
    %add3A_53 = arith.addf %add3A_44, %dot_general3A_52 : vector<512x128xf32>
    %swap3A = arith.constant 0 : index
    %swap3A_54 = arith.constant 0 : index
    %swap3A_55 = vector.load %arg9[%swap3A, %swap3A_54] : memref<512x128xf32, #tpu.memory_space<vmem>>, vector<512x128xf32>
    tpu.vector_store %arg9[%swap3A, %swap3A_54], %add3A_53 {strides = array<i32>} : memref<512x128xf32, #tpu.memory_space<vmem>>, vector<512x128xf32>,
    return
  }
  func.func @transform_0(%arg0: i32) -> (i32, i32, i32) {
    %c0_i32 = arith.constant 0 : i32
    %c0_i32_0 = arith.constant 0 : i32
    %c0_i32_1 = arith.constant 0 : i32
    return %c0_i32, %arg0, %c0_i32_0 : i32, i32, i32
  }
  func.func @transform_1(%arg0: i32) -> (i32, i32, i32) {
    %c0_i32 = arith.constant 0 : i32
    %c0_i32_0 = arith.constant 0 : i32
    %c0_i32_1 = arith.constant 0 : i32
    return %c0_i32, %arg0, %c0_i32_0 : i32, i32, i32
  }
  func.func @transform_2(%arg0: i32) -> (i32, i32) {
    %c0_i32 = arith.constant 0 : i32
    %c0_i32_0 = arith.constant 0 : i32
    return %arg0, %c0_i32 : i32, i32
  }
  func.func @transform_3(%arg0: i32) -> (i32, i32) {
    %c0_i32 = arith.constant 0 : i32
    %c0_i32_0 = arith.constant 0 : i32
    %c0_i32_1 = arith.constant 0 : i32
    return %c0_i32, %c0_i32_0 : i32, i32
  }
  func.func @transform_4(%arg0: i32) -> (i32, i32) {
    %c0_i32 = arith.constant 0 : i32
    %c0_i32_0 = arith.constant 0 : i32
    %c0_i32_1 = arith.constant 0 : i32
    return %c0_i32, %c0_i32_0 : i32, i32
  }
  func.func @transform_5(%arg0: i32) -> (i32, i32) {
    %c0_i32 = arith.constant 0 : i32
    %c0_i32_0 = arith.constant 0 : i32
    %c0_i32_1 = arith.constant 0 : i32
    return %c0_i32, %c0_i32_0 : i32, i32
  }
  func.func @transform_6(%arg0: i32) -> (i32, i32) {
    %c0_i32 = arith.constant 0 : i32
    %c0_i32_0 = arith.constant 0 : i32
    %c0_i32_1 = arith.constant 0 : i32
    return %c0_i32, %c0_i32_0 : i32, i32
  }
  func.func @transform_7(%arg0: i32) -> (i32, i32) {
    %c0_i32 = arith.constant 0 : i32
    %c0_i32_0 = arith.constant 0 : i32
    %c0_i32_1 = arith.constant 0 : i32
    return %c0_i32, %c0_i32_0 : i32, i32
  }
  func.func @transform_8(%arg0: i32) -> (i32, i32) {
    %c0_i32 = arith.constant 0 : i32
    %c0_i32_0 = arith.constant 0 : i32
    return %arg0, %c0_i32 : i32, i32
  }
}

</mosaic_0001>

<sc_bundles>
// kernel: kernel.4.cloned.1.call-start
scs
__scs_entry_jumppad:
0x0: {  	(pc) =	sbr.rel $0x88, $3  }
0x1: {  	(tag) =	ssettag $0x0;
	lr =	simm.s32 $0x1  }
0x2: {  	[smem:$0x3F99] =	sst lr;
	_ =	strace $0xD0000000  }
0x3: {  	_ = 	snop  }
0x4: {  	_ = 	snop  }
0x5: {  	_ = 	snop  }
0x6: {  	_ = 	snop  }
0x7: {  	_ = 	snop  }
__scs_overlays_trampoline_lowered:
0x8: {  	[smem:$0x3FA8] =	sst s0  }
0x9: {  	[smem:$0x3FA9] =	sst s1  }
0xa: {  	[smem:$0x3FAA] =	sst s2  }
0xb: {  	[smem:$0x3FAB] =	sst s3  }
0xc: {  	[smem:$0x3FAC] =	sst s4  }
0xd: {  	[smem:$0x3FAD] =	sst s5  }
0xe: {  	[smem:$0x3FAE] =	sst s6  }
0xf: {  	[smem:$0x3FAF] =	sst s7  }
0x10: {  	[smem:$0x3FB0] =	sst s8  }
0x11: {  	[smem:$0x3FB1] =	sst s9;
	s0 =	simm.s32 @!p0 $0x0  }
0x12: {  	s1 =	sld [smem:$0x3F97];
	s0 =	simm.s32 @p0 $0x1  }
0x13: {  	[smem:$0x3FB2] =	sst s0;
	s0 =	simm.s32 @!p1 $0x0  }
0x14: {  	s2 =	sld [smem:$0x3F96];
	s0 =	simm.s32 @p1 $0x1  }
0x15: {  	[smem:$0x3FB3] =	sst s0;
	s0 =	simm.s32 @!p2 $0x0  }
0x16: {  	s3 =	sld [smem:$0x3FDB];
	s0 =	simm.s32 @p2 $0x1  }
0x17: {  	s4 =	simm.s32 $0x1BF5;
	[smem:$0x3FB5] =	sst s0  }
0x18: {  	s0 =	sld [smem:$0x3F98];
	_ =	swait.ge [sflag:s4], $0x0  }
0x19: {  	s7 =	sld [smem:$0x3F99]  }
0x1a: {  	s8 =	sadd.s32 $0xFFFFE003, lr  }
0x1b: {  	s9 =	sadd.s32 $0xFFFFFEF7, lr;
	s5 =	simm.s32 $0xFFFFFFFF;
	p2 =	slt.u32 s8, $0xFFFFF086  }
0x1c: {  	p1 =	slt.u32 s9, $0xF7A;
	s5 =	simm.s32 @!p2 $0x0  }
0x1d: {  	s5 =	simm.s32 @p1 $0x1;
	p0 =	seq.s32 s7, s2  }
0x1e: {  	s7 =	smul.u32 @!p0 $0xF7A, s2;
	p2 =	seq.s32 @!p0 s5, $0x0  }
0x1f: {  	s9 =	smul.u32 $0xF7A, s1;
	s8 =	simm.s32 @!p0 $0x1BF5;
	p2 =	por !p2, p0  }
0x20: {  	[sflag:s8] =	ssyncset.s32 @!p0 $0xFFFFF086;
	s6 =	sadd.s32 @!p0 s3, s7;
	s7 =	simm.s32 @!p0 $0x108  }
0x21: {  	s3 =	sadd.s32 s3, s9;
	s6 =	sadd.s32 @!p0 $0x88, s6;
	s7 =	simm.s32 @p2 $0x1082  }
0x22: {  	[simem:s7], [sflag:s8] =	dma.local @!p0 [hbm:s6], $0xF7A  }
0x23: {  	s9 =	sor.u32 $0xD0000000, s2;
	s6 =	simm.s32 $0x108;
	_ =	swait.ge @!p0 [sflag:s8], $0x0  }
0x24: {  	s3 =	sadd.s32 $0x88, s3;
	s6 =	simm.s32 @!p1 $0x1082;
	[sflag:s4] =	ssyncset.s32 $0xFFFFF086  }
0x25: {  	[simem:s6], [sflag:s4] =	dma.local [hbm:s3], $0xF7A  }
0x26: {  	[smem:$0x3F99] =	sst s1;
	(tag) =	ssettag s2;
	_ =	strace s9  }
0x27: {  	s1 =	sld [smem:$0x3FA9]  }
0x28: {  	s2 =	sld [smem:$0x3FAA]  }
0x29: {  	s4 =	sld [smem:$0x3FAC]  }
0x2a: {  	p0 =	seq.s32 s5, $0x0;
	s5 =	sld [smem:$0x3FAD]  }
0x2b: {  	s6 =	sld [smem:$0x3FAE]  }
0x2c: {  	s7 =	sld [smem:$0x3FAF]  }
0x2d: {  	s3 =	simm.s32 $0x108;
	s8 =	sld [smem:$0x3FB0]  }
0x2e: {  	s3 =	simm.s32 @!p0 $0x1082;
	s9 =	sld [smem:$0x3FB1]  }
0x2f: {  	lr =	sadd.s32 s0, s3;
	s0 =	sld [smem:$0x3FA8]  }
0x30: {  	s3 =	sld [smem:$0x3FAB]  }
0x31: {  	[smem:$0x3FB4] =	sst s10  }
0x32: {  	s10 =	sld [smem:$0x3FB2];
	_ =	sdelay $0x3  }
0x33: {  	p0 =	seq.s32 s10, $0x1;
	s10 =	sld [smem:$0x3FB4];
	_ =	sdelay $0x3  }
0x34: {  	[smem:$0x3FB4] =	sst s10  }
0x35: {  	s10 =	sld [smem:$0x3FB3];
	_ =	sdelay $0x3  }
0x36: {  	p1 =	seq.s32 s10, $0x1;
	s10 =	sld [smem:$0x3FB4];
	_ =	sdelay $0x3  }
0x37: {  	[smem:$0x3FB4] =	sst s10  }
0x38: {  	s10 =	sld [smem:$0x3FB5]  }
0x39: {  	_ = 	snop;
	(pc) =	sbr.ind lr, $3  }
0x3a: {  	_ = 	snop  }
0x3b: {  	_ = 	snop  }
0x3c: {  	p2 =	seq.s32 s10, $0x1;
	s10 =	sld [smem:$0x3FB4]  }
0x3d: {  	_ =	shalt  }
0x3e: {  	_ =	shalt  }
0x3f: {  	_ =	shalt  }
0x40: {  	_ =	shalt  }
0x41: {  	_ =	shalt  }
0x42: {  	_ =	shalt  }
0x43: {  	_ =	shalt  }
0x44: {  	_ =	shalt  }
0x45: {  	_ =	shalt  }
0x46: {  	_ =	shalt  }
0x47: {  	_ =	shalt  }
0x48: {  	_ =	shalt  }
0x49: {  	_ =	shalt  }
0x4a: {  	_ =	shalt  }
0x4b: {  	_ =	shalt  }
0x4c: {  	_ =	shalt  }
0x4d: {  	_ =	shalt  }
0x4e: {  	_ =	shalt  }
0x4f: {  	_ =	shalt  }
0x50: {  	_ =	shalt  }
0x51: {  	_ =	shalt  }
0x52: {  	_ =	shalt  }
0x53: {  	_ =	shalt  }
0x54: {  	_ =	shalt  }
0x55: {  	_ =	shalt  }
0x56: {  	_ =	shalt  }
0x57: {  	_ =	shalt  }
0x58: {  	_ =	shalt  }
0x59: {  	_ =	shalt  }
0x5a: {  	_ =	shalt  }
0x5b: {  	_ =	shalt  }
0x5c: {  	_ =	shalt  }
0x5d: {  	_ =	shalt  }
0x5e: {  	_ =	shalt  }
0x5f: {  	_ =	shalt  }
0x60: {  	_ =	shalt  }
0x61: {  	_ =	shalt  }
0x62: {  	_ =	shalt  }
0x63: {  	_ =	shalt  }
0x64: {  	_ =	shalt  }
0x65: {  	_ =	shalt  }
0x66: {  	_ =	shalt  }
0x67: {  	_ =	shalt  }
0x68: {  	_ =	shalt  }
0x69: {  	_ =	shalt  }
0x6a: {  	_ =	shalt  }
0x6b: {  	_ =	shalt  }
0x6c: {  	_ =	shalt  }
0x6d: {  	_ =	shalt  }
0x6e: {  	_ =	shalt  }
0x6f: {  	_ =	shalt  }
0x70: {  	_ =	shalt  }
0x71: {  	_ =	shalt  }
0x72: {  	_ =	shalt  }
0x73: {  	_ =	shalt  }
0x74: {  	_ =	shalt  }
0x75: {  	_ =	shalt  }
0x76: {  	_ =	shalt  }
0x77: {  	_ =	shalt  }
0x78: {  	_ =	shalt  }
0x79: {  	_ =	shalt  }
0x7a: {  	_ =	shalt  }
0x7b: {  	_ =	shalt  }
0x7c: {  	_ =	shalt  }
0x7d: {  	_ =	shalt  }
0x7e: {  	_ =	shalt  }
0x7f: {  	_ =	shalt  }
0x80: {  	_ =	shalt  }
0x81: {  	_ =	shalt  }
0x82: {  	_ =	shalt  }
0x83: {  	_ =	shalt  }
0x84: {  	_ =	shalt  }
0x85: {  	_ =	shalt  }
0x86: {  	_ =	shalt  }
0x87: {  	_ =	shalt  }
.Lfunc_end0:
.L_simem_size_0:
called_computation.1_lowered:
.L_overlay_start_0:
0x88: {  	s2 =	sld [smem:$0x3FD9]  }
0x89: {  	s3 =	sld [smem:$0x3FFE];
	_ =	sdelay $0x1  }
0x8a: {  	s1 =	srdreg.scid  }
0x8b: {  	s0 =	sand.u32 $0x1, s1  }
0x8c: {  	s17 =	sshll.u32 s0, $0xA;
	s2 =	sadd.s32 s3, s2  }
0x8d: {  	s2 =	sadd.s32 s2, s17  }
0x8e: {  	[smem:$0x3FC0] =	sst s2  }
0x8f: {  	_ = 	snop  }
0x90: {  	s2 =	sld [smem:$0x3FC9]  }
0x91: {  	s18 =	sld [smem:$0x3FD0];
	(tm) =	ssettm $0x1  }
0x92: {  	s4 =	sld [smem:$0x3FFB];
	_ =	sdelay $0x3  }
0x93: {  	_ =	strace s4  }
0x94: {  	s4 =	sld [smem:$0x3FFC];
	_ =	sdelay $0x3  }
0x95: {  	_ =	strace s4  }
0x96: {  	s4 =	sld [smem:$0x3FFD];
	_ =	sdelay $0x3  }
0x97: {  	_ =	strace s4  }
0x98: {  	_ =	strace $0x8FFFFFFF  }
0x99: {  	s19 =	sld [smem:$0x3FDB];
	_ =	sdelay $0x1  }
0x9a: {  	s5 =	simm.s32 $_scs_section_size  }
0x9b: {  	s6 =	simm.s32 $_size__tile_overlayer_lowered;
	s7 =	simm.s32 $_tile_overlayer_lowered  }
0x9c: {  	s22 =	simm.s32 $0x1BFF;
	s21 =	sshll.u32 s7, $0x1;
	s4 =	sadd.s32 s5, s19  }
0x9d: {  	s8 =	simm.s32 $0x0;
	s20 =	sshll.u32 s6, $0x1;
	s6 =	sadd.s32 s21, s4  }
0x9e: {  	[timem:s8], [sflag:s22] =	dma.local [hbm:s6], s20  }
0x9f: {  	_ =	swait.ge [sflag:s22], s20  }
0xa0: {  	s5 =	ssub.s32 $0x0, s20;
	[sflag:s22] =	ssyncset.done $0x0  }
0xa1: {  	[sflag:s22] =	ssyncadd.s32 s5;
	_ =	sdelay $0x1  }
0xa2: {  	s23 =	simm.s32 $0x1B8B  }
0xa3: {  	_ =	swait.ge [sflag:s23], $0x1  }
0xa4: {  	[sflag:s23] =	ssyncset.done $0x0  }
0xa5: {  	s25 =	simm.s32 $0x1B8E;
	s24 =	sld [smem:$0x3FFE];
	[sflag:s23] =	ssyncadd.s32 $0xFFFFFFFF  }
0xa6: {  	s26 =	simm.s32 $execute0_lowered;
	[smem:$0x3FD2] =	sst s25  }
0xa7: {  	s6 =	sshll.u32 s26, $0x1;
	_ =	strace $0x80000049;
	[dreg:$0x1] =	wrdreg $0xFFFFFFFF  }
0xa8: {  	s28 =	simm.s32 $_size_execute0_lowered;
	s4 =	sadd.s32 s4, s6;
	[dreg:$0x0] =	wrdreg $0x0  }
0xa9: {  	s6 =	sshll.u32 s28, $0x1;
	[dreg:$0x2] =	wrdreg s4  }
0xaa: {  	[dreg:$0x3] =	wrdreg s6  }
0xab: {  	[dreg:$0x4] =	wrdreg $0xC0  }
0xac: {  	_ =	task [dreg:s8], $0x5FFFF  }
0xad: {  	[dreg:$0x1] =	wrdreg $0xFFFFFFFF  }
0xae: {  	[dreg:$0x0] =	wrdreg $0x60  }
0xaf: {  	[dreg:$0x2] =	wrdreg s2  }
0xb0: {  	[dreg:$0x3] =	wrdreg s24  }
0xb1: {  	[dreg:$0x4] =	wrdreg s18  }
0xb2: {  	[dreg:$0x5] =	wrdreg $0x0  }
0xb3: {  	[dreg:$0x6] =	wrdreg $0x13C000  }
0xb4: {  	[dreg:$0x7] =	wrdreg $0x9  }
0xb5: {  	_ =	task.clear_ibuf [dreg:s8], $0x8FFFF;
	_ =	strace $0x90000049  }
0xb6: {  	s29 =	simm.s32 $0x9;
	_ =	strace $0x8000004B  }
0xb7: {  	_ =	swait.ge [sflag:s29], $0x1  }
0xb8: {  	[sflag:s29] =	ssyncadd.s32 $0xFFFFFFFF  }
0xb9: {  	_ =	strace $0x9000004B  }
0xba: {  	_ =	sfence  }
0xbb: {  	s30 =	sld [smem:$0x0];
	_ =	sdelay $0x2  }
0xbc: {  	s31 =	sshll.u32 s1, $0xD;
	s1 =	sshrl.u32 s1, $0x2  }
0xbd: {  	s3 =	sand.u32 $0x4000, s31;
	s1 =	sadd.s32 s1, s30  }
0xbe: {  	s0 =	sor.u32 s3, s0;
	s1 =	sshll.u32 s1, $0x11  }
0xbf: {  	s0 =	sor.u32 s1, s0  }
0xc0: {  	s0 =	sadd.s32 $0x8F2B, s0  }
0xc1: {  	[sflag:s0] =	ssyncadd.remote.s32 $0x1  }
0xc2: {  	_ =	sfence.sel $0xFFFF  }
0xc3: {  	[dreg:$0x0] =	wrdreg $0xFFFFFFFF;
	(pc) =	sbr.abs _section_cstart, $3  }
0xc4: {  	[dreg:$0x1] =	wrdreg $0xFFFFFFFF  }
0xc5: {  	_ =	task.clear_ibuf [dreg:s8], $0x2FFFF;
	_ =	strace $0x9FFFFFFF  }
0xc6: {  	(tm) =	ssettm $0x7FFFFFFF  }
0xc7: {  	_ =	shalt  }
tec
execute0_lowered:
.L_overlay_start_1:
0x0: {  	(tag) =	ssettag $0x1  }
0x1: {  	s1 =	srdreg.scid;
	s0 =	rddreg [dreg:$0x1]  }
0x2: {  	s10 =	stileid.u32;
	s5 =	rddreg [dreg:$0x2]  }
0x3: {  	s4 =	sand.u32 $0x1, s1;
	s2 =	smul.u32 $0xA0000, s10;
	s1 =	simm.s32 $0x0  }
0x4: {  	s7 =	sadd.s32 $0x141A00, s0;
	s8 =	sshll.u32 s10, $0x1;
	s9 =	smul.u32 $0x278, s10  }
0x5: {  	s3 =	smul.u32 $0x50000, s4;
	[smem:$0x7FF] =	sst s1;
	s19 =	ssub.s32 $0x2, s4  }
0x6: {  	s13 =	smul.u32 $0x13C000, s4;
	s20 =	sshrl.u32 s19, $0x1;
	s11 =	sadd.s32 $0x80, s9  }
0x7: {  	s12 =	sadd.s32 $0x100, s9;
	s21 =	sadd.s32 $0x180, s9;
	s9 =	sadd.s32 $0x1F8, s9  }
0x8: {  	s6 =	sadd.s32 s3, s2;
	s3 =	sor.u32 s4, s8;
	s8 =	smul.u32 $0x13C00, s10  }
0x9: {  	s2 =	ssub.s32 s19, s20;
	s10 =	smul.u32 $0x4F00, s10;
	s14 =	sshll.u32 s11, $0x7  }
0xa: {  	s15 =	sshll.u32 s11, $0x5;
	s22 =	sshll.u32 s12, $0x7;
	s12 =	sshll.u32 s12, $0x5  }
0xb: {  	s24 =	sshll.u32 s21, $0x7;
	s4 =	smul.u32 $0x4F000, s4;
	s25 =	sshll.u32 s21, $0x5  }
0xc: {  	s26 =	sshll.u32 s9, $0x7;
	s28 =	sshll.u32 s9, $0x5;
	s19 =	sadd.s32 s13, s14  }
0xd: {  	s29 =	smul.u32 $0x2800, s3;
	s3 =	simm.s32 $0x18B00;
	s23 =	sadd.s32 s8, s13  }
0xe: {  	s17 =	sadd.s32 s10, s4;
	s20 =	sshrl.u32 s19, $0x3;
	s21 =	sadd.s32 s4, s15  }
0xf: {  	s19 =	sadd.s32 s4, s25;
	s16 =	sshrl.u32 s23, $0x3;
	s18 =	sshrl.u32 s17, $0x3  }
0x10: {  	s23 =	sshrl.u32 s21, $0x3;
	s9 =	sadd.s32 s7, s16;
	s16 =	sadd.s32 s13, s22  }
0x11: {  	[dreg:$0x6] =	wrdreg s9;
	s9 =	sadd.s32 s5, s18;
	s11 =	sshrl.u32 s16, $0x3  }
0x12: {  	s16 =	sadd.s32 s13, s24;
	[dreg:$0x7] =	wrdreg s9;
	s9 =	sadd.s32 s7, s20  }
0x13: {  	s13 =	sadd.s32 s13, s26;
	s11 =	sadd.s32 s7, s11;
	[dreg:$0x8] =	wrdreg s9  }
0x14: {  	s17 =	sshrl.u32 s16, $0x3;
	s13 =	sshrl.u32 s13, $0x3;
	[dreg:$0x9] =	wrdreg s11  }
0x15: {  	s11 =	sadd.s32 s7, s17;
	s7 =	sadd.s32 s7, s13;
	s13 =	rddreg [dreg:$0x4]  }
0x16: {  	s18 =	sadd.s32 s4, s12;
	s4 =	sadd.s32 s4, s28;
	[dreg:$0xa] =	wrdreg s11  }
0x17: {  	s4 =	sshrl.u32 s4, $0x3;
	s9 =	sadd.s32 s5, s23;
	[dreg:$0xb] =	wrdreg s7  }
0x18: {  	s20 =	sshrl.u32 s6, $0x3;
	s16 =	sadd.s32 $0x626200, s0;
	[dreg:$0xc] =	wrdreg s9  }
0x19: {  	s6 =	simm.s32 $0x1;
	s4 =	sadd.s32 s5, s4;
	s9 =	rddreg [dreg:$0x0]  }
0x1a: {  	s17 =	sadd.s32 $0x61C200, s0;
	s23 =	smax.u32 s2, $0x1;
	s11 =	rddreg [dreg:$0x3]  }
0x1b: {  	s2 =	simm.s32 $0x19B00;
	s7 =	sshrl.u32 s18, $0x3;
	[dreg:$0xf] =	wrdreg s4  }
0x1c: {  	s4 =	sadd.s32 s20, s0;
	s10 =	sadd.s32 s10, s13;
	s30 =	sadd.s32 s15, s13  }
0x1d: {  	s21 =	sadd.s32 s12, s13;
	s25 =	sadd.s32 s25, s13;
	s7 =	sadd.s32 s5, s7  }
0x1e: {  	s28 =	sadd.s32 s28, s13;
	[dreg:$0xd] =	wrdreg s7;
	s7 =	sshrl.u32 s19, $0x3  }
0x1f: {  	s12 =	simm.s32 $0x1AB00;
	s0 =	simm.s32 $0x2;
	s7 =	sadd.s32 s5, s7  }
0x20: {  	s18 =	sadd.s32 s8, s11;
	s31 =	sadd.s32 s22, s11;
	[dreg:$0xe] =	wrdreg s7  }
0x21: {  	s22 =	sadd.s32 s24, s11;
	_ =	strace $0x8000004A;
	[dreg:$0x10] =	wrdreg s21  }
0x22: {  	s26 =	sadd.s32 s26, s11;
	s24 =	sadd.s32 $0x1A00, s4;
	[dreg:$0x11] =	wrdreg s22  }
0x23: {  	s4 =	simm.s32 $0x19300;
	s19 =	sadd.s32 s14, s11;
	[dreg:$0x12] =	wrdreg s23  }
0x24: {  	v0 =	vimm.f32 $0.0e+00;
	s5 =	simm.s32 $0x80;
	s7 =	simm.s32 $0x0;
	[dreg:$0x13] =	wrdreg s24  }
.LBB2_1:
0x25: {  	s8 =	simm.s32 $0x1AB40  }
0x26: {  	[tilespmem:s8+$0x20] =	vst v0  }
0x27: {  	[tilespmem:s8+$0x10] =	vst v0  }
0x28: {  	[tilespmem:s8+$0x0] =	vst v0  }
0x29: {  	[tilespmem:s8+$0xFFFFFFF0] =	vst v0  }
0x2a: {  	[tilespmem:s8+$0xFFFFFFE0] =	vst v0  }
0x2b: {  	[tilespmem:s8+$0xFFFFFFD0] =	vst v0  }
0x2c: {  	[tilespmem:s8+$0xFFFFFFC0] =	vst v0  }
0x2d: {  	s15 =	simm.s32 $0x0;
	s14 =	simm.s32 $0x80;
	[tilespmem:s8+$0x30] =	vst v0  }
.LBB2_2:
0x2e: {  	p0 =	sne.s32 s14, $0x3F80;
	[tilespmem:s15+$0x19B10] =	vst v0  }
0x2f: {  	s8 =	sadd.s32 $0x80, s8;
	[tilespmem:s15+$0x19B00] =	vst v0  }
0x30: {  	[tilespmem:s8+$0x20] =	vst v0  }
0x31: {  	[tilespmem:s8+$0x10] =	vst v0  }
0x32: {  	[tilespmem:s8+$0x0] =	vst v0  }
.Ltmp0:
0x33: {  	[tilespmem:s8+$0xFFFFFFF0] =	vst v0;
	(pc) =	sbr.rel @p0 .LBB2_2-.Ltmp0, $4  }
0x34: {  	[tilespmem:s8+$0xFFFFFFE0] =	vst v0  }
0x35: {  	[tilespmem:s8+$0xFFFFFFD0] =	vst v0  }
0x36: {  	[tilespmem:s8+$0xFFFFFFC0] =	vst v0  }
0x37: {  	s15 =	sshra.s32 s14, $0x2;
	s14 =	sadd.s32 $0x80, s14;
	[tilespmem:s8+$0x30] =	vst v0  }
0x38: {  	[tilespmem:s15+$0x19B10] =	vst v0  }
0x39: {  	[tilespmem:s15+$0x19B00] =	vst v0  }
0x3a: {  	[spmem:s18] =	stream.linear.scatter [tilespmem:s12], [sflag:$0x2], $0x4000, $0x38;
	[tilespmem:$0x1EB00] =	vst v63  }
0x3b: {  	_ =	swait.ge [sflag:s0], $0x4000  }
0x3c: {  	[sflag:s0] =	ssyncset.done $0x0  }
0x3d: {  	[sflag:s0] =	ssyncadd.s32 $0xFFFFC000  }
0x3e: {  	[spmem:s10] =	stream.linear.scatter [tilespmem:s2], [sflag:$0x2], $0x1000, $0x38;
	[tilespmem:$0x1EB00] =	vst v63  }
0x3f: {  	_ =	swait.ge [sflag:s0], $0x1000  }
0x40: {  	[sflag:s0] =	ssyncset.done $0x0  }
0x41: {  	[sflag:s0] =	ssyncadd.s32 $0xFFFFF000  }
0x42: {  	[spmem:s19] =	stream.linear.scatter [tilespmem:s12], [sflag:$0x2], $0x4000, $0x38;
	[tilespmem:$0x1EB00] =	vst v63  }
0x43: {  	_ =	swait.ge [sflag:s0], $0x4000  }
0x44: {  	[sflag:s0] =	ssyncset.done $0x0  }
0x45: {  	[sflag:s0] =	ssyncadd.s32 $0xFFFFC000  }
0x46: {  	[spmem:s30] =	stream.linear.scatter [tilespmem:s2], [sflag:$0x2], $0x1000, $0x38;
	[tilespmem:$0x1EB00] =	vst v63  }
0x47: {  	_ =	swait.ge [sflag:s0], $0x1000  }
0x48: {  	[sflag:s0] =	ssyncset.done $0x0  }
0x49: {  	[sflag:s0] =	ssyncadd.s32 $0xFFFFF000  }
0x4a: {  	[spmem:s31] =	stream.linear.scatter [tilespmem:s12], [sflag:$0x2], $0x4000, $0x38;
	[tilespmem:$0x1EB00] =	vst v63  }
0x4b: {  	_ =	swait.ge [sflag:s0], $0x4000  }
0x4c: {  	[sflag:s0] =	ssyncset.done $0x0  }
0x4d: {  	s8 =	rddreg [dreg:$0x10];
	[sflag:s0] =	ssyncadd.s32 $0xFFFFC000  }
0x4e: {  	[spmem:s8] =	stream.linear.scatter [tilespmem:s2], [sflag:$0x2], $0x1000, $0x38;
	[tilespmem:$0x1EB00] =	vst v63  }
0x4f: {  	_ =	swait.ge [sflag:s0], $0x1000  }
0x50: {  	[sflag:s0] =	ssyncset.done $0x0  }
0x51: {  	s23 =	smov.u32 s30;
	s30 =	rddreg [dreg:$0x11];
	[sflag:s0] =	ssyncadd.s32 $0xFFFFF000  }
0x52: {  	[spmem:s30] =	stream.linear.scatter [tilespmem:s12], [sflag:$0x2], $0x4000, $0x38;
	[tilespmem:$0x1EB00] =	vst v63  }
0x53: {  	_ =	swait.ge [sflag:s0], $0x4000  }
0x54: {  	[sflag:s0] =	ssyncset.done $0x0  }
0x55: {  	[sflag:s0] =	ssyncadd.s32 $0xFFFFC000  }
0x56: {  	[spmem:s25] =	stream.linear.scatter [tilespmem:s2], [sflag:$0x2], $0x1000, $0x38;
	[tilespmem:$0x1EB00] =	vst v63  }
0x57: {  	_ =	swait.ge [sflag:s0], $0x1000  }
0x58: {  	[sflag:s0] =	ssyncset.done $0x0  }
0x59: {  	[sflag:s0] =	ssyncadd.s32 $0xFFFFF000  }
0x5a: {  	[spmem:s26] =	stream.linear.scatter [tilespmem:s12], [sflag:$0x2], $0x4000, $0x38;
	[tilespmem:$0x1EB00] =	vst v63  }
0x5b: {  	_ =	swait.ge [sflag:s0], $0x4000  }
0x5c: {  	[sflag:s0] =	ssyncset.done $0x0  }
0x5d: {  	[sflag:s0] =	ssyncadd.s32 $0xFFFFC000  }
0x5e: {  	[spmem:s28] =	stream.linear.scatter [tilespmem:s2], [sflag:$0x2], $0x1000, $0x38;
	[tilespmem:$0x1EB00] =	vst v63  }
0x5f: {  	_ =	swait.ge [sflag:s0], $0x1000  }
0x60: {  	[sflag:s0] =	ssyncset.done $0x0  }
0x61: {  	s20 =	smov.u32 s18;
	s21 =	smov.u32 s10;
	[sflag:s0] =	ssyncadd.s32 $0xFFFFF000  }
0x62: {  	s22 =	smov.u32 s19;
	s24 =	smov.u32 s31;
	[bflag:$0x0] =	sbarrier.arrive $0xFFFF  }
0x63: {  	s14 =	simm.s32 $0x0;
	s8 =	simm.s32 $0x0;
	s31 =	rddreg [dreg:$0x13]  }
.LBB2_4:
0x64: {  	s15 =	sshll.u32 s14, $0xB  }
0x65: {  	s15 =	sadd.s32 s29, s15  }
0x66: {  	s15 =	sshrl.u32 s15, $0x3  }
0x67: {  	s30 =	sadd.s32 s16, s15  }
0x68: {  	[tilespmem:s3], [sflag:$0x2] =	stream.linear.gather [hbm4b:s30+s8], $0x800, $0x38;
	[tilespmem:$0x1EB00] =	vst v63  }
0x69: {  	_ =	swait.ge [sflag:s0], $0x800  }
0x6a: {  	[sflag:s0] =	ssyncset.done $0x0  }
0x6b: {  	s15 =	sadd.s32 s17, s15;
	[sflag:s0] =	ssyncadd.s32 $0xFFFFF800  }
0x6c: {  	[tilespmem:s4], [sflag:$0x2] =	stream.linear.gather [hbm4b:s15+s8], $0x800, $0x38;
	[tilespmem:$0x1EB00] =	vst v63  }
0x6d: {  	_ =	swait.ge [sflag:s0], $0x800  }
0x6e: {  	[sflag:s0] =	ssyncset.done $0x0  }
0x6f: {  	s10 =	sadd.s32 $0x0, s31;
	[sflag:s0] =	ssyncadd.s32 $0xFFFFF800  }
0x70: {  	[tilespmem:s2], [sflag:$0x2] =	stream.linear.gather [hbm4b:s10+s1], $0x1000, $0x38;
	[tilespmem:$0x1EB00] =	vst v63  }
0x71: {  	_ =	swait.ge [sflag:s0], $0x1000  }
0x72: {  	[sflag:s0] =	ssyncset.done $0x0  }
0x73: {  	s18 =	simm.s32 $0x18B00;
	[sflag:s0] =	ssyncadd.s32 $0xFFFFF000  }
0x74: {  	[tilespmem:s12], [sflag:$0x1] =	stream.indirect.gather [hbm4b:s9+s5], $0x80, s18, s5, $0xb8;
	[tilespmem:$0x1EB00] =	vst v63  }
0x75: {  	_ =	swait.ge [sflag:s6], $0x4000  }
0x76: {  	[sflag:s6] =	ssyncset.done $0x0  }
0x77: {  	s19 =	simm.s32 $0x19300;
	[sflag:s6] =	ssyncadd.s32 $0xFFFFC000  }
0x78: {  	[spmem:s11] =	stream.indirect.scatter.add.f32 [tilespmem:s12], [sflag:$0x2], $0x80, s19, s5, $0xb8;
	[tilespmem:$0x1EB00] =	vst v63  }
0x79: {  	_ =	swait.ge [sflag:s0], $0x4000  }
0x7a: {  	[sflag:s0] =	ssyncset.done $0x0  }
0x7b: {  	[sflag:s0] =	ssyncadd.s32 $0xFFFFC000  }
0x7c: {  	[spmem:s13] =	stream.indirect.scatter.add.f32 [tilespmem:s2], [sflag:$0x2], $0x20, s19, s5, $0xb8;
	[tilespmem:$0x1EB00] =	vst v63  }
0x7d: {  	_ =	swait.ge [sflag:s0], $0x1000  }
0x7e: {  	s30 =	simm.s32 $0x400;
	s15 =	simm.s32 $0x200;
	[sflag:s0] =	ssyncset.done $0x0  }
.LBB2_5:
0x7f: {  	s10 =	sadd.s32 s15, s31  }
0x80: {  	[sflag:s0] =	ssyncadd.s32 $0xFFFFF000;
	s18 =	smov.u32 s30;
	s19 =	sadd.s32 $0x200, s30  }
0x81: {  	[tilespmem:s2], [sflag:$0x2] =	stream.linear.gather [hbm4b:s10+s1], $0x1000, $0x38;
	[tilespmem:$0x1EB00] =	vst v63  }
0x82: {  	p0 =	sne.s32 s30, $0x1E00;
	_ =	swait.ge [sflag:s0], $0x1000  }
0x83: {  	s10 =	sshra.s32 s15, $0x2;
	s15 =	smov.u32 s18;
	[sflag:s0] =	ssyncset.done $0x0  }
0x84: {  	s18 =	sadd.s32 $0x18B00, s10;
	[sflag:s0] =	ssyncadd.s32 $0xFFFFF000  }
0x85: {  	[tilespmem:s12], [sflag:$0x1] =	stream.indirect.gather [hbm4b:s9+s5], $0x80, s18, s5, $0xb8;
	[tilespmem:$0x1EB00] =	vst v63  }
0x86: {  	_ =	swait.ge [sflag:s6], $0x4000  }
0x87: {  	[sflag:s6] =	ssyncset.done $0x0  }
0x88: {  	s10 =	sadd.s32 $0x19300, s10;
	[sflag:s6] =	ssyncadd.s32 $0xFFFFC000  }
0x89: {  	[spmem:s11] =	stream.indirect.scatter.add.f32 [tilespmem:s12], [sflag:$0x2], $0x80, s10, s5, $0xb8;
	[tilespmem:$0x1EB00] =	vst v63  }
0x8a: {  	_ =	swait.ge [sflag:s0], $0x4000  }
.Ltmp1:
0x8b: {  	[sflag:s0] =	ssyncset.done $0x0;
	(pc) =	sbr.rel @p0 .LBB2_5-.Ltmp1, $4  }
0x8c: {  	[sflag:s0] =	ssyncadd.s32 $0xFFFFC000  }
0x8d: {  	[spmem:s13] =	stream.indirect.scatter.add.f32 [tilespmem:s2], [sflag:$0x2], $0x20, s10, s5, $0xb8;
	[tilespmem:$0x1EB00] =	vst v63  }
0x8e: {  	_ =	swait.ge [sflag:s0], $0x1000  }
0x8f: {  	s30 =	smov.u32 s19;
	[sflag:s0] =	ssyncset.done $0x0  }
0x90: {  	s10 =	sadd.s32 s15, s31;
	[sflag:s0] =	ssyncadd.s32 $0xFFFFF000  }
0x91: {  	[tilespmem:s2], [sflag:$0x2] =	stream.linear.gather [hbm4b:s10+s1], $0x1000, $0x38;
	[tilespmem:$0x1EB00] =	vst v63  }
0x92: {  	_ =	swait.ge [sflag:s0], $0x1000  }
0x93: {  	s30 =	sshra.s32 s15, $0x2;
	[sflag:s0] =	ssyncset.done $0x0  }
0x94: {  	s15 =	sadd.s32 $0x18B00, s30;
	[sflag:s0] =	ssyncadd.s32 $0xFFFFF000  }
0x95: {  	[tilespmem:s12], [sflag:$0x1] =	stream.indirect.gather [hbm4b:s9+s5], $0x80, s15, s5, $0xb8;
	[tilespmem:$0x1EB00] =	vst v63  }
0x96: {  	_ =	swait.ge [sflag:s6], $0x4000  }
0x97: {  	[sflag:s6] =	ssyncset.done $0x0  }
0x98: {  	s10 =	sadd.s32 $0x19300, s30;
	[sflag:s6] =	ssyncadd.s32 $0xFFFFC000  }
0x99: {  	[spmem:s11] =	stream.indirect.scatter.add.f32 [tilespmem:s12], [sflag:$0x2], $0x80, s10, s5, $0xb8;
	[tilespmem:$0x1EB00] =	vst v63  }
0x9a: {  	s14 =	sadd.s32 $0x1, s14;
	_ =	swait.ge [sflag:s0], $0x4000  }
0x9b: {  	p0 =	sne.s32 s14, $0x5;
	[sflag:s0] =	ssyncset.done $0x0  }
.Ltmp2:
0x9c: {  	[sflag:s0] =	ssyncadd.s32 $0xFFFFC000;
	(pc) =	sbr.rel @p0 .LBB2_4-.Ltmp2, $4  }
0x9d: {  	[spmem:s13] =	stream.indirect.scatter.add.f32 [tilespmem:s2], [sflag:$0x2], $0x20, s10, s5, $0xb8;
	[tilespmem:$0x1EB00] =	vst v63  }
0x9e: {  	_ =	swait.ge [sflag:s0], $0x1000  }
0x9f: {  	[sflag:s0] =	ssyncset.done $0x0  }
0xa0: {  	s31 =	sadd.s32 $0x2000, s31;
	[sflag:s0] =	ssyncadd.s32 $0xFFFFF000  }
0xa1: {  	[bflag:$0x0] =	sbarrier.arrive $0xFFFF  }
0xa2: {  	[tilespmem:s12], [sflag:$0x2] =	stream.linear.gather [spmem:s20], $0x4000, $0x38;
	[tilespmem:$0x1EB00] =	vst v63  }
0xa3: {  	_ =	swait.ge [sflag:s0], $0x4000  }
0xa4: {  	[sflag:s0] =	ssyncset.done $0x0  }
0xa5: {  	s8 =	rddreg [dreg:$0x6];
	[sflag:s0] =	ssyncadd.s32 $0xFFFFC000  }
0xa6: {  	[hbm4b:s8+s1] =	stream.linear.scatter [tilespmem:s12], [sflag:$0x2], $0x4000, $0x38;
	[tilespmem:$0x1EB00] =	vst v63  }
0xa7: {  	_ =	swait.ge [sflag:s0], $0x4000  }
0xa8: {  	[sflag:s0] =	ssyncset.done $0x0  }
0xa9: {  	[sflag:s0] =	ssyncadd.s32 $0xFFFFC000  }
0xaa: {  	[tilespmem:s2], [sflag:$0x2] =	stream.linear.gather [spmem:s21], $0x1000, $0x38;
	[tilespmem:$0x1EB00] =	vst v63  }
0xab: {  	_ =	swait.ge [sflag:s0], $0x1000  }
0xac: {  	[sflag:s0] =	ssyncset.done $0x0  }
0xad: {  	s18 =	smov.u32 s20;
	s20 =	rddreg [dreg:$0x7];
	[sflag:s0] =	ssyncadd.s32 $0xFFFFF000  }
0xae: {  	[hbm4b:s20+s1] =	stream.linear.scatter [tilespmem:s2], [sflag:$0x2], $0x1000, $0x38;
	[tilespmem:$0x1EB00] =	vst v63  }
0xaf: {  	_ =	swait.ge [sflag:s0], $0x1000  }
0xb0: {  	[sflag:s0] =	ssyncset.done $0x0  }
0xb1: {  	[sflag:s0] =	ssyncadd.s32 $0xFFFFF000  }
0xb2: {  	[tilespmem:s12], [sflag:$0x2] =	stream.linear.gather [spmem:s22], $0x4000, $0x38;
	[tilespmem:$0x1EB00] =	vst v63  }
0xb3: {  	_ =	swait.ge [sflag:s0], $0x4000  }
0xb4: {  	[sflag:s0] =	ssyncset.done $0x0  }
0xb5: {  	s10 =	smov.u32 s21;
	s21 =	rddreg [dreg:$0x8];
	[sflag:s0] =	ssyncadd.s32 $0xFFFFC000  }
0xb6: {  	[hbm4b:s21+s1] =	stream.linear.scatter [tilespmem:s12], [sflag:$0x2], $0x4000, $0x38;
	[tilespmem:$0x1EB00] =	vst v63  }
0xb7: {  	_ =	swait.ge [sflag:s0], $0x4000  }
0xb8: {  	[sflag:s0] =	ssyncset.done $0x0  }
0xb9: {  	[sflag:s0] =	ssyncadd.s32 $0xFFFFC000  }
0xba: {  	[tilespmem:s2], [sflag:$0x2] =	stream.linear.gather [spmem:s23], $0x1000, $0x38;
	[tilespmem:$0x1EB00] =	vst v63  }
0xbb: {  	_ =	swait.ge [sflag:s0], $0x1000  }
0xbc: {  	[sflag:s0] =	ssyncset.done $0x0  }
0xbd: {  	s19 =	smov.u32 s22;
	s22 =	rddreg [dreg:$0xc];
	[sflag:s0] =	ssyncadd.s32 $0xFFFFF000  }
0xbe: {  	[hbm4b:s22+s1] =	stream.linear.scatter [tilespmem:s2], [sflag:$0x2], $0x1000, $0x38;
	[tilespmem:$0x1EB00] =	vst v63  }
0xbf: {  	_ =	swait.ge [sflag:s0], $0x1000  }
0xc0: {  	[sflag:s0] =	ssyncset.done $0x0  }
0xc1: {  	[sflag:s0] =	ssyncadd.s32 $0xFFFFF000  }
0xc2: {  	[tilespmem:s12], [sflag:$0x2] =	stream.linear.gather [spmem:s24], $0x4000, $0x38;
	[tilespmem:$0x1EB00] =	vst v63  }
0xc3: {  	_ =	swait.ge [sflag:s0], $0x4000  }
0xc4: {  	[sflag:s0] =	ssyncset.done $0x0  }
0xc5: {  	s30 =	smov.u32 s23;
	s23 =	rddreg [dreg:$0x9];
	[sflag:s0] =	ssyncadd.s32 $0xFFFFC000  }
0xc6: {  	[hbm4b:s23+s1] =	stream.linear.scatter [tilespmem:s12], [sflag:$0x2], $0x4000, $0x38;
	[tilespmem:$0x1EB00] =	vst v63  }
0xc7: {  	_ =	swait.ge [sflag:s0], $0x4000  }
0xc8: {  	[sflag:s0] =	ssyncset.done $0x0  }
0xc9: {  	s31 =	smov.u32 s24;
	s24 =	rddreg [dreg:$0x10];
	[sflag:s0] =	ssyncadd.s32 $0xFFFFC000  }
0xca: {  	[tilespmem:s2], [sflag:$0x2] =	stream.linear.gather [spmem:s24], $0x1000, $0x38;
	[tilespmem:$0x1EB00] =	vst v63  }
0xcb: {  	_ =	swait.ge [sflag:s0], $0x1000  }
0xcc: {  	[sflag:s0] =	ssyncset.done $0x0  }
0xcd: {  	s14 =	rddreg [dreg:$0xd];
	[sflag:s0] =	ssyncadd.s32 $0xFFFFF000  }
0xce: {  	[hbm4b:s14+s1] =	stream.linear.scatter [tilespmem:s2], [sflag:$0x2], $0x1000, $0x38;
	[tilespmem:$0x1EB00] =	vst v63  }
0xcf: {  	_ =	swait.ge [sflag:s0], $0x1000  }
0xd0: {  	[sflag:s0] =	ssyncset.done $0x0  }
0xd1: {  	s15 =	rddreg [dreg:$0x11];
	[sflag:s0] =	ssyncadd.s32 $0xFFFFF000  }
0xd2: {  	[tilespmem:s12], [sflag:$0x2] =	stream.linear.gather [spmem:s15], $0x4000, $0x38;
	[tilespmem:$0x1EB00] =	vst v63  }
0xd3: {  	_ =	swait.ge [sflag:s0], $0x4000  }
0xd4: {  	[sflag:s0] =	ssyncset.done $0x0  }
0xd5: {  	s20 =	rddreg [dreg:$0xa];
	[sflag:s0] =	ssyncadd.s32 $0xFFFFC000  }
0xd6: {  	[hbm4b:s20+s1] =	stream.linear.scatter [tilespmem:s12], [sflag:$0x2], $0x4000, $0x38;
	[tilespmem:$0x1EB00] =	vst v63  }
0xd7: {  	_ =	swait.ge [sflag:s0], $0x4000  }
0xd8: {  	[sflag:s0] =	ssyncset.done $0x0  }
0xd9: {  	[sflag:s0] =	ssyncadd.s32 $0xFFFFC000  }
0xda: {  	[tilespmem:s2], [sflag:$0x2] =	stream.linear.gather [spmem:s25], $0x1000, $0x38;
	[tilespmem:$0x1EB00] =	vst v63  }
0xdb: {  	_ =	swait.ge [sflag:s0], $0x1000  }
0xdc: {  	[sflag:s0] =	ssyncset.done $0x0  }
0xdd: {  	s21 =	rddreg [dreg:$0xe];
	[sflag:s0] =	ssyncadd.s32 $0xFFFFF000  }
0xde: {  	[hbm4b:s21+s1] =	stream.linear.scatter [tilespmem:s2], [sflag:$0x2], $0x1000, $0x38;
	[tilespmem:$0x1EB00] =	vst v63  }
0xdf: {  	_ =	swait.ge [sflag:s0], $0x1000  }
0xe0: {  	[sflag:s0] =	ssyncset.done $0x0  }
0xe1: {  	[sflag:s0] =	ssyncadd.s32 $0xFFFFF000  }
0xe2: {  	[tilespmem:s12], [sflag:$0x2] =	stream.linear.gather [spmem:s26], $0x4000, $0x38;
	[tilespmem:$0x1EB00] =	vst v63  }
0xe3: {  	_ =	swait.ge [sflag:s0], $0x4000  }
0xe4: {  	[sflag:s0] =	ssyncset.done $0x0  }
0xe5: {  	s22 =	rddreg [dreg:$0xb];
	[sflag:s0] =	ssyncadd.s32 $0xFFFFC000  }
0xe6: {  	[hbm4b:s22+s1] =	stream.linear.scatter [tilespmem:s12], [sflag:$0x2], $0x4000, $0x38;
	[tilespmem:$0x1EB00] =	vst v63  }
0xe7: {  	_ =	swait.ge [sflag:s0], $0x4000  }
0xe8: {  	[sflag:s0] =	ssyncset.done $0x0  }
0xe9: {  	[sflag:s0] =	ssyncadd.s32 $0xFFFFC000  }
0xea: {  	[tilespmem:s2], [sflag:$0x2] =	stream.linear.gather [spmem:s28], $0x1000, $0x38;
	[tilespmem:$0x1EB00] =	vst v63  }
0xeb: {  	_ =	swait.ge [sflag:s0], $0x1000  }
0xec: {  	[sflag:s0] =	ssyncset.done $0x0  }
0xed: {  	s23 =	rddreg [dreg:$0xf];
	[sflag:s0] =	ssyncadd.s32 $0xFFFFF000  }
0xee: {  	[hbm4b:s23+s1] =	stream.linear.scatter [tilespmem:s2], [sflag:$0x2], $0x1000, $0x38;
	[tilespmem:$0x1EB00] =	vst v63  }
0xef: {  	_ =	swait.ge [sflag:s0], $0x1000  }
0xf0: {  	s7 =	sadd.s32 $0x1, s7;
	s24 =	rddreg [dreg:$0x12]  }
0xf1: {  	p0 =	sne.s32 s7, s24  }
.Ltmp3:
0xf2: {  	_ = 	snop;
	(pc) =	sbr.rel @p0 .LBB2_1-.Ltmp3, $3  }
0xf3: {  	_ =	sdelay $0x1  }
0xf4: {  	[sflag:s0] =	ssyncset.done $0x0  }
0xf5: {  	[sflag:s0] =	ssyncadd.s32 $0xFFFFF000  }
0xf6: {  	_ =	sfence.sel $0x180000  }
0xf7: {  	[bflag:$0x0] =	sbarrier.arrive $0xFFFF  }
0xf8: {  	_ =	strace $0x9000004A  }
0xf9: {  	s0 =	stileid.u32;
	[bflag:$0x2] =	sbarrier.arrive $0xFFFF  }
0xfa: {  	p0 =	sne.s32 s0, $0x0;
	s0 =	rddreg [dreg:$0x5]  }
0xfb: {  	s0 =	sadd.s32 @!p0 $0x100000, s0  }
0xfc: {  	[sflag:s0] =	ssyncadd.tile.s32 @!p0 $0x1;
	_ =	shalt  }
.Lfunc_end2:
_tile_overlayer_lowered:
.L_overlay_start_2:
0xfd: {  	(tag) =	ssettag $0x2  }
0xfe: {  	s0 =	rddreg [dreg:$0x0];
	s2 =	stileid.u32  }
0xff: {  	s1 =	rddreg [dreg:$0x1];
	p0 =	sne.s32 s2, $0x0  }
0x100: {  	s3 =	rddreg [dreg:$0x2];
	[bflag:$0x3] =	sbarrier.arrive $0xFFFF;
	s2 =	simm.s32 @!p0 $0x1C02  }
0x101: {  	[timem:s3], [sflag:s2] =	dma.local @!p0 [hbm:s0], s1  }
0x102: {  	s0 =	simm.s32 @!p0 $0x2  }
0x103: {  	_ =	swait.ge @!p0 [sflag:s0], s1  }
0x104: {  	s1 =	ssub.s32 @!p0 $0x0, s1;
	[sflag:s0] =	ssyncset.done @!p0 $0x0  }
0x105: {  	[sflag:s0] =	ssyncadd.s32 @!p0 s1  }
0x106: {  	[bflag:$0x3] =	sbarrier.arrive $0xFFFF  }
0x107: {  	_ =	shalt  }

// kernel: sparse-core-data-format-call.cloned.1.call-start
scs
called_computation_lowered:
.L_overlay_start_0:
0x0: {  	s1 =	sld [smem:$0x3FD9]  }
0x1: {  	s2 =	sld [smem:$0x3FFE];
	_ =	sdelay $0x1  }
0x2: {  	s3 =	srdreg.scid  }
0x3: {  	s0 =	sand.u32 $0x1, s3  }
0x4: {  	s17 =	sshll.u32 s0, $0xA;
	s1 =	sadd.s32 s2, s1  }
0x5: {  	s1 =	sadd.s32 s1, s17  }
0x6: {  	[smem:$0x3FC0] =	sst s1  }
0x7: {  	_ = 	snop  }
0x8: {  	(tm) =	ssettm $0x1  }
0x9: {  	s18 =	sld [smem:$0x3FFB];
	_ =	sdelay $0x3  }
0xa: {  	_ =	strace s18  }
0xb: {  	s1 =	sld [smem:$0x3FFC];
	_ =	sdelay $0x3  }
0xc: {  	_ =	strace s1  }
0xd: {  	s1 =	sld [smem:$0x3FFD];
	_ =	sdelay $0x3  }
0xe: {  	_ =	strace s1  }
0xf: {  	_ =	strace $0x8FFFFFFF  }
0x10: {  	s19 =	sld [smem:$0x3FDB];
	_ =	sdelay $0x1  }
0x11: {  	s20 =	simm.s32 $_scs_section_size  }
0x12: {  	s4 =	simm.s32 $_size__tile_overlayer_lowered;
	s5 =	simm.s32 $_tile_overlayer_lowered  }
0x13: {  	s23 =	simm.s32 $0x1BFF;
	s22 =	sshll.u32 s5, $0x1;
	s1 =	sadd.s32 s20, s19  }
0x14: {  	s6 =	simm.s32 $0x0;
	s21 =	sshll.u32 s4, $0x1;
	s4 =	sadd.s32 s22, s1  }
0x15: {  	[timem:s6], [sflag:s23] =	dma.local [hbm:s4], s21  }
0x16: {  	_ =	swait.ge [sflag:s23], s21  }
0x17: {  	s2 =	ssub.s32 $0x0, s21;
	[sflag:s23] =	ssyncset.done $0x0  }
0x18: {  	[sflag:s23] =	ssyncadd.s32 s2;
	_ =	sdelay $0x1  }
0x19: {  	s24 =	simm.s32 $0x1B8B  }
0x1a: {  	_ =	swait.ge [sflag:s24], $0x1  }
0x1b: {  	[sflag:s24] =	ssyncset.done $0x0  }
0x1c: {  	s26 =	simm.s32 $0x1B8E;
	s25 =	sld [smem:$0x3FFE];
	[sflag:s24] =	ssyncadd.s32 $0xFFFFFFFF  }
0x1d: {  	s27 =	simm.s32 $execute0_lowered;
	[smem:$0x3FD2] =	sst s26  }
0x1e: {  	s4 =	sshll.u32 s27, $0x1;
	_ =	strace $0x80000046;
	[dreg:$0x1] =	wrdreg $0xFFFFFFFF  }
0x1f: {  	s28 =	simm.s32 $_size_execute0_lowered;
	s1 =	sadd.s32 s1, s4;
	[dreg:$0x0] =	wrdreg $0x0  }
0x20: {  	s4 =	sshll.u32 s28, $0x1;
	[dreg:$0x2] =	wrdreg s1  }
0x21: {  	[dreg:$0x3] =	wrdreg s4  }
0x22: {  	[dreg:$0x4] =	wrdreg $0xC0  }
0x23: {  	_ =	task [dreg:s6], $0x5FFFF  }
0x24: {  	[dreg:$0x1] =	wrdreg $0xFFFFFFFF  }
0x25: {  	[dreg:$0x0] =	wrdreg $0x60  }
0x26: {  	[dreg:$0x2] =	wrdreg s25  }
0x27: {  	[dreg:$0x3] =	wrdreg $0x9  }
0x28: {  	_ =	task.clear_ibuf [dreg:s6], $0x4FFFF;
	_ =	strace $0x90000046  }
0x29: {  	s29 =	simm.s32 $0x9;
	_ =	strace $0x80000048  }
0x2a: {  	_ =	swait.ge [sflag:s29], $0x1  }
0x2b: {  	[sflag:s29] =	ssyncadd.s32 $0xFFFFFFFF  }
0x2c: {  	_ =	strace $0x90000048  }
0x2d: {  	_ =	sfence  }
0x2e: {  	s30 =	sld [smem:$0x0];
	_ =	sdelay $0x2  }
0x2f: {  	s31 =	sshll.u32 s3, $0xD;
	s3 =	sshrl.u32 s3, $0x2  }
0x30: {  	s2 =	sand.u32 $0x4000, s31;
	s1 =	sadd.s32 s3, s30  }
0x31: {  	s0 =	sor.u32 s2, s0;
	s1 =	sshll.u32 s1, $0x11  }
0x32: {  	s0 =	sor.u32 s1, s0  }
0x33: {  	s0 =	sadd.s32 $0x8F2B, s0  }
0x34: {  	[sflag:s0] =	ssyncadd.remote.s32 $0x1  }
0x35: {  	_ =	sfence.sel $0xFFFF  }
0x36: {  	[dreg:$0x0] =	wrdreg $0xFFFFFFFF;
	(pc) =	sbr.abs _section_cstart, $3  }
0x37: {  	[dreg:$0x1] =	wrdreg $0xFFFFFFFF  }
0x38: {  	_ =	task.clear_ibuf [dreg:s6], $0x2FFFF;
	_ =	strace $0x9FFFFFFF  }
0x39: {  	(tm) =	ssettm $0x7FFFFFFF  }
tec
execute0_lowered:
.L_overlay_start_1:
0x0: {  	(tag) =	ssettag $0x1  }
0x1: {  	s0 =	srdreg.scid  }
0x2: {  	s6 =	rddreg [dreg:$0x0];
	s7 =	simm.s32 $0x1;
	s1 =	sshll.u32 s0, $0x4  }
0x3: {  	s8 =	simm.s32 $0x2;
	s0 =	stileid.u32;
	s1 =	sand.u32 $0x10, s1  }
0x4: {  	s13 =	simm.s32 $0x0;
	s12 =	simm.s32 $0x0;
	s1 =	sor.u32 s0, s1  }
0x5: {  	s10 =	simm.s32 $0x0;
	s11 =	simm.s32 $0x0;
	s2 =	sshll.u32 s1, $0x9  }
0x6: {  	s3 =	sadd.s32 $0x1A00, s6;
	s6 =	sadd.s32 $0x13A200, s6;
	s5 =	ssub.s32 $0x4E200, s2  }
.Ltmp0:
0x7: {  	s1 =	rddreg [dreg:$0x1];
	s4 =	sand.u32 $0x3E00, s5;
	(pc) =	sbr.rel .LBB1_1-.Ltmp0, $4  }
0x8: {  	_ =	strace $0x80000047;
	s9 =	smov.u32 s2;
	p0 =	sne.s32 s4, $0x0  }
0x9: {  	s5 =	sshrl.u32 s5, $0xE;
	s4 =	simm.s32 $0x1;
	s7 =	simm.s32 @!p0 $0x0  }
0xa: {  	[sflag:s4] =	ssyncpa.u1 $0x0;
	p0 =	por $0x0, $0x0;
	s5 =	sadd.s32 s7, s5  }
0xb: {  	[sflag:s8] =	ssyncpa.u1 $0x0;
	s8 =	simm.s32 $0x80;
	s7 =	sadd.s32 $0x1, s5  }
.LBB1_4:
0xc: {  	_ = 	snop  }
0xd: {  	[tilespmem:s18+$0x2D60 ss:$0x21] =	vst.msk $0xffff, v7  }
0xe: {  	[tilespmem:s18+$0x2F70 ss:$0x21] =	vst.msk $0xffff, v6  }
0xf: {  	[tilespmem:s18+$0x3390 ss:$0x21] =	vst.msk $0xffff, v3  }
0x10: {  	s21 =	sor.u32 s24, s23;
	v31 =	vld.idx.msk [tilespmem:v0+s16+$0xC70 ss:$0x1], $0xffff;
	[tilespmem:s18+$0x35A0 ss:$0x21] =	vst.msk $0xffff, v1  }
0x11: {  	[tilespmem:s18+$0x37B0 ss:$0x21] =	vst.msk $0xffff, v2;
	v43 =	vld.idx.msk [tilespmem:v0+s21+$0x410 ss:$0x1], $0xffff  }
0x12: {  	[tilespmem:s18+$0x39C0 ss:$0x21] =	vst.msk $0xffff, v4;
	v44 =	vld.idx.msk [tilespmem:v0+s21+$0x420 ss:$0x1], $0xffff  }
0x13: {  	[tilespmem:s18+$0x3BD0 ss:$0x21] =	vst.msk $0xffff, v5;
	s22 =	sand.u32 $0x3200, s21;
	v45 =	vld.idx.msk [tilespmem:v0+s21+$0x430 ss:$0x1], $0xffff  }
0x14: {  	s20 =	sand.u32 $0x180, s20;
	s25 =	sshra.s32 s19, $0x2;
	[tilespmem:s18+$0x3DE0 ss:$0x21] =	vst.msk $0xffff, v8;
	v46 =	vld.idx.msk [tilespmem:v0+s21+$0x440 ss:$0x1], $0xffff;
	s15 =	sadd.s32 s22, s15  }
0x15: {  	v47 =	vld.idx.msk [tilespmem:v0+s21+$0x450 ss:$0x1], $0xffff;
	s24 =	sadd.s32 s20, s15;
	s15 =	sadd.s32 s25, s17;
	[tilespmem:s18+$0x3FF0 ss:$0x21] =	vst.msk $0xffff, v31  }
0x16: {  	v48 =	vld.idx.msk [tilespmem:v0+s21+$0x460 ss:$0x1], $0xffff;
	[tilespmem:s15+$0x1290 ss:$0x21] =	vst.msk $0xffff, v43  }
0x17: {  	v49 =	vld.idx.msk [tilespmem:v0+s21+$0x470 ss:$0x1], $0xffff;
	[tilespmem:s15+$0x14A0 ss:$0x21] =	vst.msk $0xffff, v44  }
0x18: {  	v50 =	vld.idx.msk [tilespmem:v0+s21+$0x810 ss:$0x1], $0xffff;
	[tilespmem:s15+$0x16B0 ss:$0x21] =	vst.msk $0xffff, v45  }
0x19: {  	v51 =	vld.idx.msk [tilespmem:v0+s21+$0x820 ss:$0x1], $0xffff;
	[tilespmem:s15+$0x18C0 ss:$0x21] =	vst.msk $0xffff, v46  }
0x1a: {  	v52 =	vld.idx.msk [tilespmem:v0+s21+$0x830 ss:$0x1], $0xffff;
	[tilespmem:s15+$0x1AD0 ss:$0x21] =	vst.msk $0xffff, v47  }
0x1b: {  	v53 =	vld.idx.msk [tilespmem:v0+s21+$0x840 ss:$0x1], $0xffff;
	[tilespmem:s15+$0x1CE0 ss:$0x21] =	vst.msk $0xffff, v48  }
0x1c: {  	v54 =	vld.idx.msk [tilespmem:v0+s21+$0x850 ss:$0x1], $0xffff;
	[tilespmem:s15+$0x1EF0 ss:$0x21] =	vst.msk $0xffff, v49  }
0x1d: {  	v55 =	vld.idx.msk [tilespmem:v0+s21+$0x860 ss:$0x1], $0xffff;
	[tilespmem:s15+$0x2310 ss:$0x21] =	vst.msk $0xffff, v50  }
0x1e: {  	v56 =	vld.idx.msk [tilespmem:v0+s21+$0x870 ss:$0x1], $0xffff;
	[tilespmem:s15+$0x2520 ss:$0x21] =	vst.msk $0xffff, v51  }
0x1f: {  	v57 =	vld.idx.msk [tilespmem:v0+s21+$0xC10 ss:$0x1], $0xffff;
	[tilespmem:s15+$0x2730 ss:$0x21] =	vst.msk $0xffff, v52  }
0x20: {  	v58 =	vld.idx.msk [tilespmem:v0+s21+$0xC20 ss:$0x1], $0xffff;
	[tilespmem:s15+$0x2940 ss:$0x21] =	vst.msk $0xffff, v53  }
0x21: {  	v59 =	vld.idx.msk [tilespmem:v0+s21+$0xC30 ss:$0x1], $0xffff;
	[tilespmem:s15+$0x2B50 ss:$0x21] =	vst.msk $0xffff, v54  }
0x22: {  	v60 =	vld.idx.msk [tilespmem:v0+s21+$0xC40 ss:$0x1], $0xffff;
	[tilespmem:s15+$0x2D60 ss:$0x21] =	vst.msk $0xffff, v55  }
0x23: {  	v61 =	vld.idx.msk [tilespmem:v0+s21+$0xC50 ss:$0x1], $0xffff;
	[tilespmem:s15+$0x2F70 ss:$0x21] =	vst.msk $0xffff, v56  }
0x24: {  	v62 =	vld.idx.msk [tilespmem:v0+s21+$0xC60 ss:$0x1], $0xffff;
	[tilespmem:s15+$0x3390 ss:$0x21] =	vst.msk $0xffff, v57  }
0x25: {  	v63 =	vld.idx.msk [tilespmem:v0+s21+$0xC70 ss:$0x1], $0xffff;
	[tilespmem:s15+$0x35A0 ss:$0x21] =	vst.msk $0xffff, v58  }
0x26: {  	v32 =	vld [tilespmem:s24+$0xC00];
	[tilespmem:s15+$0x37B0 ss:$0x21] =	vst.msk $0xffff, v59  }
0x27: {  	v33 =	vld [tilespmem:s24+$0x0];
	[tilespmem:s15+$0x39C0 ss:$0x21] =	vst.msk $0xffff, v60  }
0x28: {  	v34 =	vld [tilespmem:s24+$0x10];
	[tilespmem:s15+$0x3BD0 ss:$0x21] =	vst.msk $0xffff, v61  }
0x29: {  	s13 =	sshll.u32 s13, $0x7;
	s26 =	sshll.u32 s12, $0x3;
	v35 =	vld [tilespmem:s24+$0x20];
	[tilespmem:s15+$0x3DE0 ss:$0x21] =	vst.msk $0xffff, v62  }
0x2a: {  	s27 =	sand.u32 $0xFFFFFC00, s13;
	s16 =	sand.u32 $0xFFFFFC00, s26;
	v36 =	vld [tilespmem:s24+$0x30];
	[tilespmem:s15+$0x3FF0 ss:$0x21] =	vst.msk $0xffff, v63  }
0x2b: {  	s13 =	sand.u32 $0x380, s13;
	s16 =	sadd.s32 s16, s27;
	v37 =	vld [tilespmem:s24+$0x40];
	[tilespmem:s15+$0x3180 ss:$0x21] =	vst.msk $0xffff, v32  }
0x2c: {  	s13 =	sor.u32 s13, s16;
	v38 =	vld [tilespmem:s24+$0x50];
	[tilespmem:s15+$0x0 ss:$0x21] =	vst.msk $0xffff, v33  }
0x2d: {  	v39 =	vld [tilespmem:s24+$0x60];
	s13 =	sshrl.u32 s13, $0x7;
	[tilespmem:s15+$0x210 ss:$0x21] =	vst.msk $0xffff, v34  }
0x2e: {  	v40 =	vld [tilespmem:s24+$0x70];
	s28 =	smulhi.u32 $0x1A36E2F, s13;
	[tilespmem:s15+$0x420 ss:$0x21] =	vst.msk $0xffff, v35  }
0x2f: {  	v41 =	vld [tilespmem:s24+$0x400];
	[tilespmem:s15+$0x630 ss:$0x21] =	vst.msk $0xffff, v36  }
0x30: {  	v42 =	vld [tilespmem:s24+$0x800];
	s16 =	sshrl.u32 s28, $0xB;
	[tilespmem:s15+$0x840 ss:$0x21] =	vst.msk $0xffff, v37  }
0x31: {  	s16 =	smul.u32 $0x4E200, s16;
	[tilespmem:s15+$0xA50 ss:$0x21] =	vst.msk $0xffff, v38  }
0x32: {  	s29 =	sshrl.u32 s12, $0x3;
	[tilespmem:s15+$0xC60 ss:$0x21] =	vst.msk $0xffff, v39  }
0x33: {  	s31 =	sand.u32 $0x7, s12;
	s30 =	sand.u32 $0xF, s29;
	[tilespmem:s15+$0xE70 ss:$0x21] =	vst.msk $0xffff, v40;
	s13 =	ssub.s32 s13, s16  }
0x34: {  	s12 =	sshll.u32 s31, $0x12;
	[tilespmem:s15+$0x1080 ss:$0x21] =	vst.msk $0xffff, v41;
	s16 =	sadd.s32 s6, s30;
	s13 =	sshll.u32 s13, $0x4  }
0x35: {  	s12 =	sor.u32 $0x20, s12;
	[tilespmem:s15+$0x2100 ss:$0x21] =	vst.msk $0xffff, v42;
	s13 =	sadd.s32 s13, s16  }
0x36: {  	[hbm4b:s13+s12] =	stream.strided.scatter [tilespmem:s14], [sflag:$0x2], $0x4000, s8, s12, $0x10;
	[tilespmem:$0x10400] =	vst v63  }
.LBB1_5:
0x37: {  	s14 =	sadd.s32 $0x4000, s9  }
0x38: {  	s12 =	sadd.s32 $0x20, s10;
	s16 =	smov.u32 s10;
	p2 =	sgt.s32 s14, $0x4E1FF  }
0x39: {  	s16 =	smov.u32 @p2 s12  }
0x3a: {  	s14 =	smov.u32 @p2 s2;
	p2 =	sgt.s32 s16, $0x1F  }
0x3b: {  	s16 =	simm.s32 @p2 $0x0;
	p2 =	sne.s32 s11, s7  }
.Ltmp1:
0x3c: {  	p1 =	slt.u32 s11, $0x2;
	(pc) =	sbr.rel @!p2 .LBB1_6-.Ltmp1, $4  }
0x3d: {  	s15 =	simm.s32 @!p1 $0x2  }
0x3e: {  	s13 =	smov.u32 s9;
	p0 =	por !p0, !p0;
	_ =	swait.ge @!p1 [sflag:s15], $0x4000  }
0x3f: {  	s12 =	smov.u32 s10;
	[sflag:s15] =	ssyncset.done @!p1 $0x0;
	s9 =	smov.u32 s14  }
0x40: {  	s11 =	sadd.s32 $0x1, s11;
	[sflag:s15] =	ssyncadd.s32 @!p1 $0xFFFFC000;
	s10 =	smov.u32 s16  }
.LBB1_1:
0x41: {  	p1 =	sge.u32 s11, s5  }
0x42: {  	s14 =	sshrl.u32 @!p1 s10, $0x3  }
0x43: {  	s15 =	sshll.u32 @!p1 s9, $0x3;
	s14 =	smul.u32 @!p1 $0x271000, s14  }
0x44: {  	s16 =	sshll.u32 @!p1 s10, $0x7;
	s15 =	sand.u32 @!p1 $0xFFFFFC00, s15  }
0x45: {  	s14 =	sadd.s32 @!p1 s14, s15;
	s15 =	sand.u32 @!p1 $0x380, s16  }
0x46: {  	s16 =	sand.u32 @!p1 $0x7F, s9;
	s14 =	sor.u32 @!p1 s15, s14  }
0x47: {  	s15 =	sor.u32 @!p1 s16, s14  }
0x48: {  	s16 =	smulhi.u32 @!p1 $0xD1B71759, s15;
	_ =	sdelay $0x1  }
0x49: {  	s14 =	smulhi.u32 @!p1 $0xD1B71759, s14;
	s16 =	sshrl.u32 @!p1 s16, $0x12  }
0x4a: {  	s16 =	smul.u32 @!p1 $0x4E200, s16  }
0x4b: {  	s31 =	sadd.s32 $0xFFFFFFFF, s11;
	s17 =	sxor.u32 @!p1 $0xFFFFFFFF, s11;
	s14 =	sshrl.u32 @!p1 s14, $0x12  }
0x4c: {  	s17 =	sshll.u32 @!p1 s17, $0xE;
	s14 =	sand.u32 @!p1 $0x1F, s14;
	s15 =	ssub.s32 @!p1 s15, s16  }
0x4d: {  	s14 =	smul.u32 @!p1 $0x9C40, s14;
	s16 =	sshrl.u32 @!p1 s15, $0x3;
	s15 =	sand.u32 @!p1 $0x7, s15  }
0x4e: {  	s17 =	sand.u32 @!p1 $0x4000, s17;
	s16 =	sadd.s32 @!p1 s3, s16;
	s15 =	sshll.u32 @!p1 s15, $0x12  }
0x4f: {  	s14 =	sadd.s32 @!p1 s14, s16;
	s15 =	sor.u32 @!p1 $0x1000, s15;
	s16 =	simm.s32 @!p1 $0x271000  }
0x50: {  	[tilespmem:s17], [sflag:$0x1] =	stream.strided.gather @!p1 [hbm4b:s14+s15], $0x4000, s16, s15, $0x38;
	[tilespmem:$0x10400] =	vst v63  }
0x51: {  	p1 =	sge.u32 s31, s5  }
.Ltmp2:
0x52: {  	_ = 	snop;
	(pc) =	sbr.rel @p1 .LBB1_5-.Ltmp2, $1  }
0x53: {  	_ =	sdelay $0x3  }
0x54: {  	s17 =	simm.s32 $0x0  }
0x55: {  	s16 =	sand.u32 $0x3000, s17;
	s18 =	sand.u32 $0x380, s17  }
0x56: {  	s14 =	sand.u32 $0x1, s11;
	s16 =	sor.u32 s18, s16  }
0x57: {  	_ =	swait.ge [sflag:s4], $0x4000;
	s15 =	sshll.u32 s14, $0xE;
	s18 =	sand.u32 $0x3200, s16  }
0x58: {  	[sflag:s4] =	ssyncset.done $0x0;
	s17 =	sand.u32 $0x180, s17;
	s18 =	sadd.s32 s18, s15  }
0x59: {  	[sflag:s4] =	ssyncadd.s32 $0xFFFFC000;
	s20 =	sadd.s32 s17, s18  }
0x5a: {  	v4 =	vld [tilespmem:s20+$0xC00]  }
0x5b: {  	s19 =	simm.s32 $0x1;
	v0 =	vmov s15;
	v5 =	vld [tilespmem:s20+$0x0]  }
0x5c: {  	s19 =	simm.s32 @!p0 $0x0;
	v6 =	vld [tilespmem:s20+$0x10]  }
0x5d: {  	s31 =	smul.u32 $0x10800, s19;
	v7 =	vld [tilespmem:s20+$0x20]  }
0x5e: {  	v8 =	vld [tilespmem:s20+$0x30]  }
0x5f: {  	s17 =	sshrl.u32 s31, $0x2;
	v9 =	vld [tilespmem:s20+$0x40]  }
0x60: {  	s17 =	sor.u32 $0x8000, s17;
	v1 =	vld.idx.msk [tilespmem:v0+s16+$0x410 ss:$0x1], $0xffff  }
0x61: {  	v2 =	vld.idx.msk [tilespmem:v0+s16+$0x420 ss:$0x1], $0xffff;
	s18 =	sadd.s32 $0x0, s17  }
0x62: {  	v3 =	vld.idx.msk [tilespmem:v0+s16+$0x430 ss:$0x1], $0xffff;
	[tilespmem:s18+$0x3180 ss:$0x21] =	vst.msk $0xffff, v4  }
0x63: {  	v10 =	vld.idx.msk [tilespmem:v0+s16+$0x820 ss:$0x1], $0xffff;
	[tilespmem:s18+$0x0 ss:$0x21] =	vst.msk $0xffff, v5  }
0x64: {  	v11 =	vld.idx.msk [tilespmem:v0+s16+$0x830 ss:$0x1], $0xffff;
	[tilespmem:s18+$0x210 ss:$0x21] =	vst.msk $0xffff, v6  }
0x65: {  	v12 =	vld.idx.msk [tilespmem:v0+s16+$0x840 ss:$0x1], $0xffff;
	[tilespmem:s18+$0x420 ss:$0x21] =	vst.msk $0xffff, v7  }
0x66: {  	v13 =	vld.idx.msk [tilespmem:v0+s16+$0x850 ss:$0x1], $0xffff;
	[tilespmem:s18+$0x630 ss:$0x21] =	vst.msk $0xffff, v8  }
0x67: {  	v4 =	vld [tilespmem:s20+$0x50];
	[tilespmem:s18+$0x840 ss:$0x21] =	vst.msk $0xffff, v9  }
0x68: {  	v5 =	vld [tilespmem:s20+$0x60];
	[tilespmem:s18+$0x1290 ss:$0x21] =	vst.msk $0xffff, v1  }
0x69: {  	v6 =	vld [tilespmem:s20+$0x70];
	[tilespmem:s18+$0x14A0 ss:$0x21] =	vst.msk $0xffff, v2  }
0x6a: {  	v7 =	vld [tilespmem:s20+$0x400];
	[tilespmem:s18+$0x16B0 ss:$0x21] =	vst.msk $0xffff, v3  }
0x6b: {  	v8 =	vld [tilespmem:s20+$0x800];
	[tilespmem:s18+$0x2520 ss:$0x21] =	vst.msk $0xffff, v10  }
0x6c: {  	v9 =	vld.idx.msk [tilespmem:v0+s16+$0x470 ss:$0x1], $0xffff;
	[tilespmem:s18+$0x2730 ss:$0x21] =	vst.msk $0xffff, v11  }
0x6d: {  	v3 =	vld.idx.msk [tilespmem:v0+s16+$0xC10 ss:$0x1], $0xffff;
	[tilespmem:s18+$0x2940 ss:$0x21] =	vst.msk $0xffff, v12  }
0x6e: {  	v1 =	vld.idx.msk [tilespmem:v0+s16+$0xC20 ss:$0x1], $0xffff;
	[tilespmem:s18+$0x2B50 ss:$0x21] =	vst.msk $0xffff, v13  }
0x6f: {  	v2 =	vld.idx.msk [tilespmem:v0+s16+$0xC30 ss:$0x1], $0xffff;
	[tilespmem:s18+$0xA50 ss:$0x21] =	vst.msk $0xffff, v4  }
0x70: {  	[tilespmem:s18+$0xE70 ss:$0x21] =	vst.msk $0xffff, v6;
	v6 =	vld.idx.msk [tilespmem:v0+s16+$0x460 ss:$0x1], $0xffff  }
0x71: {  	v4 =	vld.idx.msk [tilespmem:v0+s16+$0x440 ss:$0x1], $0xffff;
	[tilespmem:s18+$0xC60 ss:$0x21] =	vst.msk $0xffff, v5  }
0x72: {  	v5 =	vld.idx.msk [tilespmem:v0+s16+$0x450 ss:$0x1], $0xffff;
	[tilespmem:s18+$0x1080 ss:$0x21] =	vst.msk $0xffff, v7  }
0x73: {  	[tilespmem:s18+$0x2100 ss:$0x21] =	vst.msk $0xffff, v8;
	v8 =	vld.idx.msk [tilespmem:v0+s16+$0x810 ss:$0x1], $0xffff  }
0x74: {  	v7 =	vld.idx.msk [tilespmem:v0+s16+$0x860 ss:$0x1], $0xffff;
	[tilespmem:s18+$0x1EF0 ss:$0x21] =	vst.msk $0xffff, v9  }
0x75: {  	s14 =	smul.u32 $0x10800, s14;
	[tilespmem:s18+$0x1CE0 ss:$0x21] =	vst.msk $0xffff, v6;
	v6 =	vld.idx.msk [tilespmem:v0+s16+$0x870 ss:$0x1], $0xffff  }
0x76: {  	s21 =	simm.s32 $0x200;
	s22 =	simm.s32 $0x8;
	[tilespmem:s18+$0x18C0 ss:$0x21] =	vst.msk $0xffff, v4;
	v4 =	vld.idx.msk [tilespmem:v0+s16+$0xC40 ss:$0x1], $0xffff  }
0x77: {  	s23 =	sand.u32 $0x3000, s21;
	s14 =	sshrl.u32 s14, $0x2;
	s20 =	simm.s32 $0x80;
	[tilespmem:s18+$0x1AD0 ss:$0x21] =	vst.msk $0xffff, v5;
	v5 =	vld.idx.msk [tilespmem:v0+s16+$0xC50 ss:$0x1], $0xffff  }
0x78: {  	s19 =	simm.s32 $0x4;
	s14 =	sor.u32 $0x8000, s14;
	s24 =	sand.u32 $0x380, s20;
	[tilespmem:s18+$0x2310 ss:$0x21] =	vst.msk $0xffff, v8;
	v8 =	vld.idx.msk [tilespmem:v0+s16+$0xC60 ss:$0x1], $0xffff  }
.LBB1_3:
0x79: {  	p1 =	sne.s32 s22, $0x7C;
	[tilespmem:s18+$0x2D60 ss:$0x21] =	vst.msk $0xffff, v7;
	v7 =	vld.idx.msk [tilespmem:v0+s16+$0xC70 ss:$0x1], $0xffff;
	s16 =	sor.u32 s24, s23  }
0x7a: {  	s23 =	sand.u32 $0x3200, s16;
	v9 =	vld.idx.msk [tilespmem:v0+s16+$0x410 ss:$0x1], $0xffff;
	[tilespmem:s18+$0x2F70 ss:$0x21] =	vst.msk $0xffff, v6  }
0x7b: {  	s24 =	sand.u32 $0x180, s20;
	s23 =	sadd.s32 s23, s15;
	v6 =	vld.idx.msk [tilespmem:v0+s16+$0x420 ss:$0x1], $0xffff;
	[tilespmem:s18+$0x3390 ss:$0x21] =	vst.msk $0xffff, v3  }
0x7c: {  	s23 =	sadd.s32 s24, s23;
	v3 =	vld.idx.msk [tilespmem:v0+s16+$0x430 ss:$0x1], $0xffff;
	[tilespmem:s18+$0x35A0 ss:$0x21] =	vst.msk $0xffff, v1  }
0x7d: {  	v1 =	vld [tilespmem:s23+$0xC00];
	[tilespmem:s18+$0x37B0 ss:$0x21] =	vst.msk $0xffff, v2  }
0x7e: {  	v2 =	vld [tilespmem:s23+$0x0];
	[tilespmem:s18+$0x39C0 ss:$0x21] =	vst.msk $0xffff, v4  }
0x7f: {  	v4 =	vld [tilespmem:s23+$0x10];
	[tilespmem:s18+$0x3BD0 ss:$0x21] =	vst.msk $0xffff, v5  }
0x80: {  	s24 =	sshra.s32 s19, $0x2;
	s19 =	smov.u32 s22;
	v5 =	vld [tilespmem:s23+$0x20];
	[tilespmem:s18+$0x3DE0 ss:$0x21] =	vst.msk $0xffff, v8  }
0x81: {  	v8 =	vld [tilespmem:s23+$0x30];
	[tilespmem:s18+$0x3FF0 ss:$0x21] =	vst.msk $0xffff, v7;
	s18 =	sadd.s32 s24, s17  }
0x82: {  	v7 =	vld [tilespmem:s23+$0x40];
	[tilespmem:s18+$0x3180 ss:$0x21] =	vst.msk $0xffff, v1  }
0x83: {  	[tilespmem:s18+$0x0 ss:$0x21] =	vst.msk $0xffff, v2;
	v1 =	vld [tilespmem:s23+$0x50]  }
0x84: {  	[tilespmem:s18+$0x210 ss:$0x21] =	vst.msk $0xffff, v4;
	v2 =	vld [tilespmem:s23+$0x60]  }
0x85: {  	[tilespmem:s18+$0x420 ss:$0x21] =	vst.msk $0xffff, v5;
	v4 =	vld [tilespmem:s23+$0x70]  }
0x86: {  	[tilespmem:s18+$0x630 ss:$0x21] =	vst.msk $0xffff, v8;
	v5 =	vld [tilespmem:s23+$0x400]  }
0x87: {  	[tilespmem:s18+$0x840 ss:$0x21] =	vst.msk $0xffff, v7;
	v7 =	vld [tilespmem:s23+$0x800]  }
0x88: {  	[tilespmem:s18+$0xA50 ss:$0x21] =	vst.msk $0xffff, v1;
	v1 =	vld.idx.msk [tilespmem:v0+s16+$0x440 ss:$0x1], $0xffff  }
0x89: {  	[tilespmem:s18+$0xC60 ss:$0x21] =	vst.msk $0xffff, v2;
	v2 =	vld.idx.msk [tilespmem:v0+s16+$0x450 ss:$0x1], $0xffff  }
0x8a: {  	[tilespmem:s18+$0xE70 ss:$0x21] =	vst.msk $0xffff, v4;
	v4 =	vld.idx.msk [tilespmem:v0+s16+$0x460 ss:$0x1], $0xffff  }
0x8b: {  	[tilespmem:s18+$0x1080 ss:$0x21] =	vst.msk $0xffff, v5;
	v5 =	vld.idx.msk [tilespmem:v0+s16+$0x470 ss:$0x1], $0xffff  }
0x8c: {  	[tilespmem:s18+$0x2100 ss:$0x21] =	vst.msk $0xffff, v7;
	v8 =	vld.idx.msk [tilespmem:v0+s16+$0x810 ss:$0x1], $0xffff  }
0x8d: {  	[tilespmem:s18+$0x1290 ss:$0x21] =	vst.msk $0xffff, v9;
	v9 =	vld.idx.msk [tilespmem:v0+s16+$0x820 ss:$0x1], $0xffff  }
0x8e: {  	[tilespmem:s18+$0x14A0 ss:$0x21] =	vst.msk $0xffff, v6;
	v10 =	vld.idx.msk [tilespmem:v0+s16+$0x830 ss:$0x1], $0xffff  }
0x8f: {  	[tilespmem:s18+$0x16B0 ss:$0x21] =	vst.msk $0xffff, v3;
	v11 =	vld.idx.msk [tilespmem:v0+s16+$0x840 ss:$0x1], $0xffff  }
0x90: {  	[tilespmem:s18+$0x18C0 ss:$0x21] =	vst.msk $0xffff, v1;
	v12 =	vld.idx.msk [tilespmem:v0+s16+$0x850 ss:$0x1], $0xffff  }
0x91: {  	[tilespmem:s18+$0x1AD0 ss:$0x21] =	vst.msk $0xffff, v2;
	v7 =	vld.idx.msk [tilespmem:v0+s16+$0x860 ss:$0x1], $0xffff  }
0x92: {  	[tilespmem:s18+$0x1CE0 ss:$0x21] =	vst.msk $0xffff, v4;
	v6 =	vld.idx.msk [tilespmem:v0+s16+$0x870 ss:$0x1], $0xffff  }
0x93: {  	[tilespmem:s18+$0x1EF0 ss:$0x21] =	vst.msk $0xffff, v5;
	v3 =	vld.idx.msk [tilespmem:v0+s16+$0xC10 ss:$0x1], $0xffff  }
.Ltmp3:
0x94: {  	[tilespmem:s18+$0x2310 ss:$0x21] =	vst.msk $0xffff, v8;
	v1 =	vld.idx.msk [tilespmem:v0+s16+$0xC20 ss:$0x1], $0xffff;
	(pc) =	sbr.rel @p1 .LBB1_3-.Ltmp3, $4  }
0x95: {  	[tilespmem:s18+$0x2520 ss:$0x21] =	vst.msk $0xffff, v9;
	v2 =	vld.idx.msk [tilespmem:v0+s16+$0xC30 ss:$0x1], $0xffff  }
0x96: {  	[tilespmem:s18+$0x2730 ss:$0x21] =	vst.msk $0xffff, v10;
	v4 =	vld.idx.msk [tilespmem:v0+s16+$0xC40 ss:$0x1], $0xffff  }
0x97: {  	s20 =	sadd.s32 $0x80, s20;
	s21 =	sadd.s32 $0x200, s21;
	[tilespmem:s18+$0x2940 ss:$0x21] =	vst.msk $0xffff, v11;
	v5 =	vld.idx.msk [tilespmem:v0+s16+$0xC50 ss:$0x1], $0xffff  }
0x98: {  	s22 =	sadd.s32 $0x4, s22;
	s24 =	sand.u32 $0x380, s20;
	s23 =	sand.u32 $0x3000, s21;
	[tilespmem:s18+$0x2B50 ss:$0x21] =	vst.msk $0xffff, v12;
	v8 =	vld.idx.msk [tilespmem:v0+s16+$0xC60 ss:$0x1], $0xffff  }
.Ltmp4:
0x99: {  	_ = 	snop;
	(pc) =	sbr.rel .LBB1_4-.Ltmp4, $1  }
0x9a: {  	_ =	sdelay $0x3  }
.LBB1_6:
0x9b: {  	_ =	sfence.sel $0x180000  }
0x9c: {  	s2 =	simm.s32 $0x1;
	[bflag:$0x0] =	sbarrier.arrive $0xFFFF  }
0x9d: {  	s31 =	simm.s32 $0x2;
	[sflag:s2] =	ssyncpa.u1 $0x1  }
0x9e: {  	[sflag:s31] =	ssyncpa.u1 $0x1  }
0x9f: {  	p0 =	sne.s32 s0, $0x0;
	_ =	strace $0x90000047  }
0xa0: {  	s0 =	sadd.s32 @!p0 $0x100000, s1;
	[bflag:$0x2] =	sbarrier.arrive $0xFFFF  }
0xa1: {  	[sflag:s0] =	ssyncadd.tile.s32 @!p0 $0x1;
	_ =	shalt  }
.Lfunc_end1:
_tile_overlayer_lowered:
.L_overlay_start_2:
0xa2: {  	(tag) =	ssettag $0x2  }
0xa3: {  	s0 =	rddreg [dreg:$0x0];
	s2 =	stileid.u32  }
0xa4: {  	s1 =	rddreg [dreg:$0x1];
	p0 =	sne.s32 s2, $0x0  }
0xa5: {  	s3 =	rddreg [dreg:$0x2];
	[bflag:$0x3] =	sbarrier.arrive $0xFFFF;
	s2 =	simm.s32 @!p0 $0x1C01  }
0xa6: {  	[timem:s3], [sflag:s2] =	dma.local @!p0 [hbm:s0], s1  }
0xa7: {  	s0 =	simm.s32 @!p0 $0x1  }
0xa8: {  	_ =	swait.ge @!p0 [sflag:s0], s1  }
0xa9: {  	s1 =	ssub.s32 @!p0 $0x0, s1;
	[sflag:s0] =	ssyncset.done @!p0 $0x0  }
0xaa: {  	[sflag:s0] =	ssyncadd.s32 @!p0 s1  }
0xab: {  	[bflag:$0x3] =	sbarrier.arrive $0xFFFF  }
0xac: {  	_ =	shalt  }

</sc_bundles>
